<compile_context>
chip_gen: v7x
topology: tpu7x:2x2x1
jax: 0.10.2.dev20260603
libtpu: 0.0.44.dev20260713+nightly
codegen_flags: <defaults>
</compile_context>

<pallas_src>
import functools

import jax
import jax.numpy as jnp
from jax import lax
from jax.experimental import pallas as pl
from jax.experimental.pallas import tpu as pltpu
from jax.experimental.pallas import tpu_sc as plsc

N = 10000
D = 128
NCLS = 40
E = 320000

NP = 10240
NCORE = 2
NSUB = 16
NW = NCORE * NSUB
K = 128
EP = 323584
NCH = EP // NW // K
ROWS_PER_SUB = NP // NSUB

BN = 1280
GRID = NP // BN


def _mesh():
    return plsc.VectorSubcoreMesh(core_axis_name="c", subcore_axis_name="s",
                                  num_cores=NCORE, num_subcores=NSUB)



def _hist_body(dst3, zeros_n, ones_k, out, dst_v, ones_v, hist_sp):
    c = lax.axis_index("c")
    s = lax.axis_index("s")
    wid = c * NSUB + s
    off = s * ROWS_PER_SUB
    pltpu.sync_copy(zeros_n.at[pl.ds(off, ROWS_PER_SUB)],
                    hist_sp.at[pl.ds(off, ROWS_PER_SUB)])
    pltpu.sync_copy(ones_k, ones_v)
    pltpu.sync_copy(dst3.at[wid], dst_v)
    plsc.subcore_barrier()

    def body(j, carry):
        pltpu.sync_copy(ones_v, hist_sp.at[dst_v.at[j]], add=True)
        return carry

    lax.fori_loop(0, NCH, body, 0)
    plsc.subcore_barrier()
    pltpu.sync_copy(hist_sp.at[pl.ds(off, ROWS_PER_SUB)],
                    out.at[pl.ds(c * NP + off, ROWS_PER_SUB)])


_hist = functools.partial(
    pl.kernel,
    out_type=jax.ShapeDtypeStruct((NCORE * NP,), jnp.float32),
    mesh=_mesh(),
    scratch_types=[
        pltpu.VMEM((NCH, K), jnp.int32),
        pltpu.VMEM((K,), jnp.float32),
        pltpu.VMEM_SHARED((NP,), jnp.float32),
    ],
)(_hist_body)


def _agg_body(table, src3, dst3, zeros_t, out, src_v, dst_v, buf, acc, sem):
    c = lax.axis_index("c")
    s = lax.axis_index("s")
    wid = c * NSUB + s
    off = s * ROWS_PER_SUB
    pltpu.sync_copy(zeros_t.at[pl.ds(off, ROWS_PER_SUB)],
                    acc.at[pl.ds(off, ROWS_PER_SUB)])
    pltpu.sync_copy(src3.at[wid], src_v)
    pltpu.sync_copy(dst3.at[wid], dst_v)
    plsc.subcore_barrier()

    def body(j, carry):
        pltpu.async_copy(table.at[src_v.at[j]], buf, sem).wait()
        pltpu.sync_copy(buf, acc.at[dst_v.at[j]], add=True)
        return carry

    lax.fori_loop(0, NCH, body, 0)
    plsc.subcore_barrier()
    pltpu.sync_copy(acc.at[pl.ds(off, ROWS_PER_SUB)],
                    out.at[c, pl.ds(off, ROWS_PER_SUB)])


_agg = functools.partial(
    pl.kernel,
    out_type=jax.ShapeDtypeStruct((NCORE, NP, D), jnp.float32),
    mesh=_mesh(),
    scratch_types=[
        pltpu.VMEM((NCH, K), jnp.int32),
        pltpu.VMEM((NCH, K), jnp.int32),
        pltpu.VMEM((K, D), jnp.float32),
        pltpu.VMEM_SHARED((NP, D), jnp.float32),
        pltpu.SemaphoreType.DMA,
    ],
)(_agg_body)



def _dinv(h_ref):
    return lax.rsqrt(1.0 + h_ref[:, 0:1] + h_ref[:, 1:2])


def _tc1_body(x_ref, w_ref, h_ref, o_ref):
    o_ref[...] = jnp.dot(x_ref[...], w_ref[...],
                         preferred_element_type=jnp.float32) * _dinv(h_ref)


def _tc2_body(acc_ref, hp_ref, h_ref, b_ref, w_ref, o_ref):
    dinv = _dinv(h_ref)
    pre = (acc_ref[0] + acc_ref[1] + hp_ref[...]) * dinv + b_ref[...]
    h = jnp.maximum(pre, 0.0)
    o_ref[...] = jnp.dot(h, w_ref[...],
                         preferred_element_type=jnp.float32) * dinv


def _tc3_body(acc_ref, hp_ref, h_ref, b_ref, o_ref):
    dinv = _dinv(h_ref)
    pre = (acc_ref[0] + acc_ref[1] + hp_ref[...]) * dinv + b_ref[...]
    o_ref[...] = jnp.maximum(pre, 0.0) * dinv


def _tc4_body(acc_ref, hp_ref, h_ref, w_ref, b_ref, o_ref):
    pre = (acc_ref[0] + acc_ref[1] + hp_ref[...]) * _dinv(h_ref)
    o_ref[...] = jnp.dot(pre, w_ref[...],
                         preferred_element_type=jnp.float32) + b_ref[...]


def _row_spec(width):
    return pl.BlockSpec((BN, width), lambda i: (i, 0))


_acc_spec = pl.BlockSpec((NCORE, BN, D), lambda i: (0, i, 0))
_w_spec = pl.BlockSpec((D, D), lambda i: (0, 0))
_b_spec = pl.BlockSpec((1, D), lambda i: (0, 0))
_out_struct = jax.ShapeDtypeStruct((NP, D), jnp.float32)

_tc1 = pl.pallas_call(
    _tc1_body, grid=(GRID,),
    in_specs=[_row_spec(D), _w_spec, _row_spec(2)],
    out_specs=_row_spec(D), out_shape=_out_struct)

_tc2 = pl.pallas_call(
    _tc2_body, grid=(GRID,),
    in_specs=[_acc_spec, _row_spec(D), _row_spec(2), _b_spec, _w_spec],
    out_specs=_row_spec(D), out_shape=_out_struct)

_tc3 = pl.pallas_call(
    _tc3_body, grid=(GRID,),
    in_specs=[_acc_spec, _row_spec(D), _row_spec(2), _b_spec],
    out_specs=_row_spec(D), out_shape=_out_struct)

_tc4 = pl.pallas_call(
    _tc4_body, grid=(GRID,),
    in_specs=[_acc_spec, _row_spec(D), _row_spec(2), _w_spec, _b_spec],
    out_specs=_row_spec(D), out_shape=_out_struct)


def kernel(X, A, W0, b0, W1, b1, W2, b2):
    src = A[0].astype(jnp.int32)
    dst = A[1].astype(jnp.int32)
    pad = EP - E
    srcp = jnp.concatenate([src, jnp.zeros((pad,), jnp.int32)])
    dstp = jnp.concatenate([dst, jnp.full((pad,), N, jnp.int32)])
    src3 = srcp.reshape(NW, NCH, K)
    dst3 = dstp.reshape(NW, NCH, K)

    Xp = jnp.pad(X, ((0, NP - N), (0, 0)))
    zeros_t = jnp.zeros((NP, D), jnp.float32)
    zeros_n = jnp.zeros((NP,), jnp.float32)
    ones_k = jnp.ones((K,), jnp.float32)

    hist = _hist(dst3, zeros_n, ones_k).reshape(NCORE, NP)
    histT = hist.T

    h0 = _tc1(Xp, W0, histT)
    a0 = _agg(h0, src3, dst3, zeros_t)
    h1 = _tc2(a0, h0, histT, b0.reshape(1, D), W1)
    a1 = _agg(h1, src3, dst3, zeros_t)
    h2 = _tc3(a1, h1, histT, b1.reshape(1, D))
    a2 = _agg(h2, src3, dst3, zeros_t)
    W2p = jnp.pad(W2, ((0, 0), (0, D - NCLS)))
    b2p = jnp.pad(b2, (0, D - NCLS)).reshape(1, D)
    outp = _tc4(a2, h2, histT, W2p, b2p)
    return outp[:N, :NCLS]

# --- scband reference (transcript-rebuilt; emitter-appended) ---
"""Pipeline reference for scband-backbone-model-70798240907979 (READ-ONLY COPY).

The authoritative reference and input builder live on the scoring server;
editing this copy changes nothing except your own understanding.
"""

import jax, jax.numpy as jnp
import numpy as np

N = 10000
E = 320000
D_IN = 128
D_HID = 128
N_CLASSES = 40


def gcn_conv(X, src, dst, W, b, n):
    # PyG-style GCNConv with self loops and symmetric degree normalization:
    # out = D^{-1/2} (A + I) D^{-1/2} X W + b
    H = X @ W
    deg = jnp.zeros((n,), dtype=X.dtype).at[dst].add(1.0)
    dinv = jax.lax.rsqrt(jnp.maximum(deg, 1.0))
    norm = dinv[src] * dinv[dst]
    msg = jnp.take(H, src, axis=0) * norm[:, None]
    out = jnp.zeros((n, W.shape[1]), dtype=X.dtype).at[dst].add(msg)
    return out + b


def setup_inputs(seed: int = 0) -> dict:
    key = jax.random.key(seed)
    ks = jax.random.split(key, 8)
    X = jax.random.normal(ks[0], (N, D_IN), dtype=jnp.float32)
    A = jax.random.randint(ks[1], (2, E), 0, N)
    W0 = jax.random.normal(ks[2], (D_IN, D_HID), dtype=jnp.float32) * 0.05
    b0 = jnp.zeros((D_HID,), dtype=jnp.float32)
    W1 = jax.random.normal(ks[3], (D_HID, D_HID), dtype=jnp.float32) * 0.05
    b1 = jnp.zeros((D_HID,), dtype=jnp.float32)
    W2 = jax.random.normal(ks[4], (D_HID, N_CLASSES), dtype=jnp.float32) * 0.05
    b2 = jnp.zeros((N_CLASSES,), dtype=jnp.float32)
    return {"X": X, "A": A, "W0": W0, "b0": b0, "W1": W1, "b1": b1, "W2": W2, "b2": b2}


def reference(X, A, W0, b0, W1, b1, W2, b2):
    # BackboneModel.forward with residual_method=None, n_layers=3, eval mode
    # (dropout is a no-op; ClusterKeepingRC path disabled).
    loop = jnp.arange(N, dtype=A.dtype)
    src = jnp.concatenate([A[0], loop])
    dst = jnp.concatenate([A[1], loop])
    h = gcn_conv(X, src, dst, W0, b0, N)
    h = jax.nn.relu(h)
    h = gcn_conv(h, src, dst, W1, b1, N)
    h = jax.nn.relu(h)
    out = gcn_conv(h, src, dst, W2, b2, N)
    return out

if __name__ == "__main__":
    import jax
    _d = setup_inputs()
    print(jax.jit(kernel)(*tuple(_d.values())))

</pallas_src>

<mosaic_0001>
#map = affine_map<(d0, d1) -> (0, 0)>
#map1 = affine_map<(d0, d1) -> (0, 0, 0)>
module attributes {stable_mosaic.version = 14 : i64} {
  func.func @_agg_body(%arg0: i32, %arg1: i32, %arg2: memref<10240x128xf32, #tpu.memory_space<hbm>>, %arg3: memref<32x79x128xi32, #tpu.memory_space<hbm>>, %arg4: memref<32x79x128xi32, #tpu.memory_space<hbm>>, %arg5: memref<10240x128xf32, #tpu.memory_space<hbm>>, %arg6: memref<2x10240x128xf32, #tpu.memory_space<hbm>>, %arg7: memref<79x128xi32, #tpu.memory_space<vmem>>, %arg8: memref<79x128xi32, #tpu.memory_space<vmem>>, %arg9: memref<128x128xf32, #tpu.memory_space<vmem>>, %arg10: memref<10240x128xf32, #tpu.memory_space<vmem_shared>>, %arg11: memref<!tpu.dma_semaphore, #tpu.memory_space<semaphore_mem>>) attributes {dimension_semantics = [#tpu.dimension_semantics<core_parallel>, #tpu.dimension_semantics<subcore_parallel>], iteration_bounds = array<i64: 2, 16>, scalar_prefetch = 0 : i64, scratch_operands = 5 : i64, tpu.core_type = #tpu.core_type<sc_vector_subcore>, window_params = [{transform_indices = #map}, {transform_indices = #map1}, {transform_indices = #map1}, {transform_indices = #map}, {transform_indices = #map1}]} {
    %mul3A = arith.constant 16 : i32
    %mul3A_0 = arith.muli %arg0, %mul3A : i32
    %add3A = arith.addi %mul3A_0, %arg1 : i32
    %mul3A_1 = arith.constant 640 : i32
    %mul3A_2 = arith.muli %arg1, %mul3A_1 : i32
    "tpu.region"() ({
      %run_scoped3A = tpu.sem_alloc : memref<!tpu.dma_semaphore, #tpu.memory_space<semaphore_mem>>
      %dma_start3A = arith.constant 0 : i32
      %dma_start3A_9 = tpu.memref_slice %arg10[%mul3A_2, %dma_start3A] : memref<10240x128xf32, #tpu.memory_space<vmem_shared>> -> memref<640x128xf32, #tpu.memory_space<vmem_shared>>
      %dma_start3A_10 = arith.constant 0 : i32
      %dma_start3A_11 = tpu.memref_slice %arg5[%mul3A_2, %dma_start3A_10] : memref<10240x128xf32, #tpu.memory_space<hbm>> -> memref<640x128xf32, #tpu.memory_space<hbm>>
      tpu.enqueue_dma source(%dma_start3A_11 : memref<640x128xf32, #tpu.memory_space<hbm>>) target(%dma_start3A_9 : memref<640x128xf32, #tpu.memory_space<vmem_shared>>) target_semaphore(%run_scoped3A : memref<!tpu.dma_semaphore, #tpu.memory_space<semaphore_mem>>)
      %dma_wait3A = arith.constant 0 : i32
      %dma_wait3A_12 = tpu.memref_slice %arg10[%mul3A_2, %dma_wait3A] : memref<10240x128xf32, #tpu.memory_space<vmem_shared>> -> memref<640x128xf32, #tpu.memory_space<vmem_shared>>
      %dma_wait3A_13 = arith.constant 0 : i32
      %dma_wait3A_14 = tpu.memref_slice %arg5[%mul3A_2, %dma_wait3A_13] : memref<10240x128xf32, #tpu.memory_space<hbm>> -> memref<640x128xf32, #tpu.memory_space<hbm>>
      tpu.wait_dma2 semaphore(%run_scoped3A : memref<!tpu.dma_semaphore, #tpu.memory_space<semaphore_mem>>) src(%dma_wait3A_14 : memref<640x128xf32, #tpu.memory_space<hbm>>) dst(%dma_wait3A_12 : memref<640x128xf32, #tpu.memory_space<vmem_shared>>)
      tpu.yield
    }) : () -> ()
    "tpu.region"() ({
      %run_scoped3A = tpu.sem_alloc : memref<!tpu.dma_semaphore, #tpu.memory_space<semaphore_mem>>
      %dma_start3A = arith.constant 0 : i32
      %dma_start3A_9 = arith.constant 0 : i32
      %dma_start3A_10 = tpu.memref_slice %arg3[%add3A, %dma_start3A, %dma_start3A_9] : memref<32x79x128xi32, #tpu.memory_space<hbm>> -> memref<1x79x128xi32, #tpu.memory_space<hbm>>
      %dma_start3A_11 = tpu.memref_squeeze %dma_start3A_10 : memref<1x79x128xi32, #tpu.memory_space<hbm>> -> memref<79x128xi32, #tpu.memory_space<hbm>>
      %dma_start3A_12 = arith.constant 0 : i32
      %dma_start3A_13 = arith.constant 0 : i32
      %dma_start3A_14 = tpu.memref_slice %arg3[%add3A, %dma_start3A_12, %dma_start3A_13] : memref<32x79x128xi32, #tpu.memory_space<hbm>> -> memref<1x79x128xi32, #tpu.memory_space<hbm>>
      %dma_start3A_15 = tpu.memref_squeeze %dma_start3A_14 : memref<1x79x128xi32, #tpu.memory_space<hbm>> -> memref<79x128xi32, #tpu.memory_space<hbm>>
      tpu.enqueue_dma source(%dma_start3A_15 : memref<79x128xi32, #tpu.memory_space<hbm>>) target(%arg7 : memref<79x128xi32, #tpu.memory_space<vmem>>) target_semaphore(%run_scoped3A : memref<!tpu.dma_semaphore, #tpu.memory_space<semaphore_mem>>)
      %dma_wait3A = arith.constant 0 : i32
      %dma_wait3A_16 = arith.constant 0 : i32
      %dma_wait3A_17 = tpu.memref_slice %arg3[%add3A, %dma_wait3A, %dma_wait3A_16] : memref<32x79x128xi32, #tpu.memory_space<hbm>> -> memref<1x79x128xi32, #tpu.memory_space<hbm>>
      %dma_wait3A_18 = tpu.memref_squeeze %dma_wait3A_17 : memref<1x79x128xi32, #tpu.memory_space<hbm>> -> memref<79x128xi32, #tpu.memory_space<hbm>>
      %dma_wait3A_19 = arith.constant 0 : i32
      %dma_wait3A_20 = arith.constant 0 : i32
      %dma_wait3A_21 = tpu.memref_slice %arg3[%add3A, %dma_wait3A_19, %dma_wait3A_20] : memref<32x79x128xi32, #tpu.memory_space<hbm>> -> memref<1x79x128xi32, #tpu.memory_space<hbm>>
      %dma_wait3A_22 = tpu.memref_squeeze %dma_wait3A_21 : memref<1x79x128xi32, #tpu.memory_space<hbm>> -> memref<79x128xi32, #tpu.memory_space<hbm>>
      tpu.wait_dma2 semaphore(%run_scoped3A : memref<!tpu.dma_semaphore, #tpu.memory_space<semaphore_mem>>) src(%dma_wait3A_22 : memref<79x128xi32, #tpu.memory_space<hbm>>) dst(%arg7 : memref<79x128xi32, #tpu.memory_space<vmem>>)
      tpu.yield
    }) : () -> ()
    "tpu.region"() ({
      %run_scoped3A = tpu.sem_alloc : memref<!tpu.dma_semaphore, #tpu.memory_space<semaphore_mem>>
      %dma_start3A = arith.constant 0 : i32
      %dma_start3A_9 = arith.constant 0 : i32
      %dma_start3A_10 = tpu.memref_slice %arg4[%add3A, %dma_start3A, %dma_start3A_9] : memref<32x79x128xi32, #tpu.memory_space<hbm>> -> memref<1x79x128xi32, #tpu.memory_space<hbm>>
      %dma_start3A_11 = tpu.memref_squeeze %dma_start3A_10 : memref<1x79x128xi32, #tpu.memory_space<hbm>> -> memref<79x128xi32, #tpu.memory_space<hbm>>
      %dma_start3A_12 = arith.constant 0 : i32
      %dma_start3A_13 = arith.constant 0 : i32
      %dma_start3A_14 = tpu.memref_slice %arg4[%add3A, %dma_start3A_12, %dma_start3A_13] : memref<32x79x128xi32, #tpu.memory_space<hbm>> -> memref<1x79x128xi32, #tpu.memory_space<hbm>>
      %dma_start3A_15 = tpu.memref_squeeze %dma_start3A_14 : memref<1x79x128xi32, #tpu.memory_space<hbm>> -> memref<79x128xi32, #tpu.memory_space<hbm>>
      tpu.enqueue_dma source(%dma_start3A_15 : memref<79x128xi32, #tpu.memory_space<hbm>>) target(%arg8 : memref<79x128xi32, #tpu.memory_space<vmem>>) target_semaphore(%run_scoped3A : memref<!tpu.dma_semaphore, #tpu.memory_space<semaphore_mem>>)
      %dma_wait3A = arith.constant 0 : i32
      %dma_wait3A_16 = arith.constant 0 : i32
      %dma_wait3A_17 = tpu.memref_slice %arg4[%add3A, %dma_wait3A, %dma_wait3A_16] : memref<32x79x128xi32, #tpu.memory_space<hbm>> -> memref<1x79x128xi32, #tpu.memory_space<hbm>>
      %dma_wait3A_18 = tpu.memref_squeeze %dma_wait3A_17 : memref<1x79x128xi32, #tpu.memory_space<hbm>> -> memref<79x128xi32, #tpu.memory_space<hbm>>
      %dma_wait3A_19 = arith.constant 0 : i32
      %dma_wait3A_20 = arith.constant 0 : i32
      %dma_wait3A_21 = tpu.memref_slice %arg4[%add3A, %dma_wait3A_19, %dma_wait3A_20] : memref<32x79x128xi32, #tpu.memory_space<hbm>> -> memref<1x79x128xi32, #tpu.memory_space<hbm>>
      %dma_wait3A_22 = tpu.memref_squeeze %dma_wait3A_21 : memref<1x79x128xi32, #tpu.memory_space<hbm>> -> memref<79x128xi32, #tpu.memory_space<hbm>>
      tpu.wait_dma2 semaphore(%run_scoped3A : memref<!tpu.dma_semaphore, #tpu.memory_space<semaphore_mem>>) src(%dma_wait3A_22 : memref<79x128xi32, #tpu.memory_space<hbm>>) dst(%arg8 : memref<79x128xi32, #tpu.memory_space<vmem>>)
      tpu.yield
    }) : () -> ()
    %barrier3A = arith.constant 0 : index
    tpu.barrier barrier_id(%barrier3A)
    %scan3A = arith.constant 0 : i32
    %scan3A_3 = arith.constant 0 : i32
    %scan3A_4 = arith.constant 79 : i32
    %scan3A_5 = arith.addi %scan3A_3, %scan3A_4 : i32
    %scan3A_6 = arith.constant 1 : i32
    scf.for %scan3A_9 = %scan3A_3 to %scan3A_5 step %scan3A_6  : i32 {
      %dma_start3A = arith.constant 0 : i32
      %dma_start3A_10 = tpu.memref_slice %arg7[%scan3A_9, %dma_start3A] : memref<79x128xi32, #tpu.memory_space<vmem>> -> memref<1x128xi32, #tpu.memory_space<vmem>>
      %dma_start3A_11 = tpu.memref_squeeze %dma_start3A_10 : memref<1x128xi32, #tpu.memory_space<vmem>> -> memref<128xi32, #tpu.memory_space<vmem>>
      %dma_start3A_12 = arith.constant 0 : i32
      %dma_start3A_13 = arith.constant 0 : i32
      %dma_start3A_14 = tpu.memref_slice %arg2[%dma_start3A_12, %dma_start3A_13] : memref<10240x128xf32, #tpu.memory_space<hbm>> -> memref<10240x128xf32, #tpu.memory_space<hbm>>
      tpu.enqueue_indirect_dma source(%dma_start3A_14 : memref<10240x128xf32, #tpu.memory_space<hbm>>) target(%arg9 : memref<128x128xf32, #tpu.memory_space<vmem>>) offsets(%dma_start3A_11 : memref<128xi32, #tpu.memory_space<vmem>>) semaphore(%arg11 : memref<!tpu.dma_semaphore, #tpu.memory_space<semaphore_mem>>)
      %dma_wait3A = arith.constant 0 : i32
      %dma_wait3A_15 = tpu.memref_slice %arg7[%scan3A_9, %dma_wait3A] : memref<79x128xi32, #tpu.memory_space<vmem>> -> memref<1x128xi32, #tpu.memory_space<vmem>>
      %dma_wait3A_16 = tpu.memref_squeeze %dma_wait3A_15 : memref<1x128xi32, #tpu.memory_space<vmem>> -> memref<128xi32, #tpu.memory_space<vmem>>
      %dma_wait3A_17 = arith.constant 0 : i32
      %dma_wait3A_18 = arith.constant 0 : i32
      %dma_wait3A_19 = tpu.memref_slice %arg2[%dma_wait3A_17, %dma_wait3A_18] : memref<10240x128xf32, #tpu.memory_space<hbm>> -> memref<10240x128xf32, #tpu.memory_space<hbm>>
      tpu.wait_indirect_dma semaphore(%arg11 : memref<!tpu.dma_semaphore, #tpu.memory_space<semaphore_mem>>) src(%dma_wait3A_19 : memref<10240x128xf32, #tpu.memory_space<hbm>>) dst(%arg9 : memref<128x128xf32, #tpu.memory_space<vmem>>)
      "tpu.region"() ({
        %run_scoped3A = tpu.sem_alloc : memref<!tpu.dma_semaphore, #tpu.memory_space<semaphore_mem>>
        %dma_start3A_20 = arith.constant 0 : i32
        %dma_start3A_21 = tpu.memref_slice %arg8[%scan3A_9, %dma_start3A_20] : memref<79x128xi32, #tpu.memory_space<vmem>> -> memref<1x128xi32, #tpu.memory_space<vmem>>
        %dma_start3A_22 = tpu.memref_squeeze %dma_start3A_21 : memref<1x128xi32, #tpu.memory_space<vmem>> -> memref<128xi32, #tpu.memory_space<vmem>>
        %dma_start3A_23 = arith.constant 0 : i32
        %dma_start3A_24 = arith.constant 0 : i32
        %dma_start3A_25 = tpu.memref_slice %arg10[%dma_start3A_23, %dma_start3A_24] : memref<10240x128xf32, #tpu.memory_space<vmem_shared>> -> memref<10240x128xf32, #tpu.memory_space<vmem_shared>>
        tpu.enqueue_indirect_dma source(%arg9 : memref<128x128xf32, #tpu.memory_space<vmem>>) target(%dma_start3A_25 : memref<10240x128xf32, #tpu.memory_space<vmem_shared>>) offsets(%dma_start3A_22 : memref<128xi32, #tpu.memory_space<vmem>>) semaphore(%run_scoped3A : memref<!tpu.dma_semaphore, #tpu.memory_space<semaphore_mem>>) {add = true}
        %dma_wait3A_26 = arith.constant 0 : i32
        %dma_wait3A_27 = tpu.memref_slice %arg8[%scan3A_9, %dma_wait3A_26] : memref<79x128xi32, #tpu.memory_space<vmem>> -> memref<1x128xi32, #tpu.memory_space<vmem>>
        %dma_wait3A_28 = tpu.memref_squeeze %dma_wait3A_27 : memref<1x128xi32, #tpu.memory_space<vmem>> -> memref<128xi32, #tpu.memory_space<vmem>>
        %dma_wait3A_29 = arith.constant 0 : i32
        %dma_wait3A_30 = arith.constant 0 : i32
        %dma_wait3A_31 = tpu.memref_slice %arg10[%dma_wait3A_29, %dma_wait3A_30] : memref<10240x128xf32, #tpu.memory_space<vmem_shared>> -> memref<10240x128xf32, #tpu.memory_space<vmem_shared>>
        tpu.wait_indirect_dma semaphore(%run_scoped3A : memref<!tpu.dma_semaphore, #tpu.memory_space<semaphore_mem>>) src(%arg9 : memref<128x128xf32, #tpu.memory_space<vmem>>) dst(%dma_wait3A_31 : memref<10240x128xf32, #tpu.memory_space<vmem_shared>>)
        tpu.yield
      }) : () -> ()
    }
    %scan3A_7 = arith.constant 79 : i32
    %barrier3A_8 = arith.constant 0 : index
    tpu.barrier barrier_id(%barrier3A_8)
    "tpu.region"() ({
      %run_scoped3A = tpu.sem_alloc : memref<!tpu.dma_semaphore, #tpu.memory_space<semaphore_mem>>
      %dma_start3A = arith.constant 0 : i32
      %dma_start3A_9 = tpu.memref_slice %arg6[%arg0, %mul3A_2, %dma_start3A] : memref<2x10240x128xf32, #tpu.memory_space<hbm>> -> memref<1x640x128xf32, #tpu.memory_space<hbm>>
      %dma_start3A_10 = tpu.memref_squeeze %dma_start3A_9 : memref<1x640x128xf32, #tpu.memory_space<hbm>> -> memref<640x128xf32, #tpu.memory_space<hbm>>
      %dma_start3A_11 = arith.constant 0 : i32
      %dma_start3A_12 = tpu.memref_slice %arg10[%mul3A_2, %dma_start3A_11] : memref<10240x128xf32, #tpu.memory_space<vmem_shared>> -> memref<640x128xf32, #tpu.memory_space<vmem_shared>>
      tpu.enqueue_dma source(%dma_start3A_12 : memref<640x128xf32, #tpu.memory_space<vmem_shared>>) target(%dma_start3A_10 : memref<640x128xf32, #tpu.memory_space<hbm>>) target_semaphore(%run_scoped3A : memref<!tpu.dma_semaphore, #tpu.memory_space<semaphore_mem>>)
      %dma_wait3A = arith.constant 0 : i32
      %dma_wait3A_13 = tpu.memref_slice %arg6[%arg0, %mul3A_2, %dma_wait3A] : memref<2x10240x128xf32, #tpu.memory_space<hbm>> -> memref<1x640x128xf32, #tpu.memory_space<hbm>>
      %dma_wait3A_14 = tpu.memref_squeeze %dma_wait3A_13 : memref<1x640x128xf32, #tpu.memory_space<hbm>> -> memref<640x128xf32, #tpu.memory_space<hbm>>
      %dma_wait3A_15 = arith.constant 0 : i32
      %dma_wait3A_16 = tpu.memref_slice %arg10[%mul3A_2, %dma_wait3A_15] : memref<10240x128xf32, #tpu.memory_space<vmem_shared>> -> memref<640x128xf32, #tpu.memory_space<vmem_shared>>
      tpu.wait_dma2 semaphore(%run_scoped3A : memref<!tpu.dma_semaphore, #tpu.memory_space<semaphore_mem>>) src(%dma_wait3A_16 : memref<640x128xf32, #tpu.memory_space<vmem_shared>>) dst(%dma_wait3A_14 : memref<640x128xf32, #tpu.memory_space<hbm>>)
      tpu.yield
    }) : () -> ()
    return
  }
}

#map = affine_map<(d0, d1) -> (0, 0, 0)>
#map1 = affine_map<(d0, d1) -> (0)>
module attributes {stable_mosaic.version = 14 : i64} {
  func.func @_hist_body(%arg0: i32, %arg1: i32, %arg2: memref<32x79x128xi32, #tpu.memory_space<hbm>>, %arg3: memref<10240xf32, #tpu.memory_space<hbm>>, %arg4: memref<128xf32, #tpu.memory_space<hbm>>, %arg5: memref<20480xf32, #tpu.memory_space<hbm>>, %arg6: memref<79x128xi32, #tpu.memory_space<vmem>>, %arg7: memref<128xf32, #tpu.memory_space<vmem>>, %arg8: memref<10240xf32, #tpu.memory_space<vmem_shared>>) attributes {dimension_semantics = [#tpu.dimension_semantics<core_parallel>, #tpu.dimension_semantics<subcore_parallel>], iteration_bounds = array<i64: 2, 16>, scalar_prefetch = 0 : i64, scratch_operands = 3 : i64, tpu.core_type = #tpu.core_type<sc_vector_subcore>, window_params = [{transform_indices = #map}, {transform_indices = #map1}, {transform_indices = #map1}, {transform_indices = #map1}]} {
    %mul3A = arith.constant 16 : i32
    %mul3A_0 = arith.muli %arg0, %mul3A : i32
    %add3A = arith.addi %mul3A_0, %arg1 : i32
    %mul3A_1 = arith.constant 640 : i32
    %mul3A_2 = arith.muli %arg1, %mul3A_1 : i32
    "tpu.region"() ({
      %run_scoped3A = tpu.sem_alloc : memref<!tpu.dma_semaphore, #tpu.memory_space<semaphore_mem>>
      %dma_start3A = tpu.memref_slice %arg8[%mul3A_2] : memref<10240xf32, #tpu.memory_space<vmem_shared>> -> memref<640xf32, #tpu.memory_space<vmem_shared>>
      %dma_start3A_12 = tpu.memref_slice %arg3[%mul3A_2] : memref<10240xf32, #tpu.memory_space<hbm>> -> memref<640xf32, #tpu.memory_space<hbm>>
      tpu.enqueue_dma source(%dma_start3A_12 : memref<640xf32, #tpu.memory_space<hbm>>) target(%dma_start3A : memref<640xf32, #tpu.memory_space<vmem_shared>>) target_semaphore(%run_scoped3A : memref<!tpu.dma_semaphore, #tpu.memory_space<semaphore_mem>>)
      %dma_wait3A = tpu.memref_slice %arg8[%mul3A_2] : memref<10240xf32, #tpu.memory_space<vmem_shared>> -> memref<640xf32, #tpu.memory_space<vmem_shared>>
      %dma_wait3A_13 = tpu.memref_slice %arg3[%mul3A_2] : memref<10240xf32, #tpu.memory_space<hbm>> -> memref<640xf32, #tpu.memory_space<hbm>>
      tpu.wait_dma2 semaphore(%run_scoped3A : memref<!tpu.dma_semaphore, #tpu.memory_space<semaphore_mem>>) src(%dma_wait3A_13 : memref<640xf32, #tpu.memory_space<hbm>>) dst(%dma_wait3A : memref<640xf32, #tpu.memory_space<vmem_shared>>)
      tpu.yield
    }) : () -> ()
    "tpu.region"() ({
      %run_scoped3A = tpu.sem_alloc : memref<!tpu.dma_semaphore, #tpu.memory_space<semaphore_mem>>
      tpu.enqueue_dma source(%arg4 : memref<128xf32, #tpu.memory_space<hbm>>) target(%arg7 : memref<128xf32, #tpu.memory_space<vmem>>) target_semaphore(%run_scoped3A : memref<!tpu.dma_semaphore, #tpu.memory_space<semaphore_mem>>)
      tpu.wait_dma2 semaphore(%run_scoped3A : memref<!tpu.dma_semaphore, #tpu.memory_space<semaphore_mem>>) src(%arg4 : memref<128xf32, #tpu.memory_space<hbm>>) dst(%arg7 : memref<128xf32, #tpu.memory_space<vmem>>)
      tpu.yield
    }) : () -> ()
    "tpu.region"() ({
      %run_scoped3A = tpu.sem_alloc : memref<!tpu.dma_semaphore, #tpu.memory_space<semaphore_mem>>
      %dma_start3A = arith.constant 0 : i32
      %dma_start3A_12 = arith.constant 0 : i32
      %dma_start3A_13 = tpu.memref_slice %arg2[%add3A, %dma_start3A, %dma_start3A_12] : memref<32x79x128xi32, #tpu.memory_space<hbm>> -> memref<1x79x128xi32, #tpu.memory_space<hbm>>
      %dma_start3A_14 = tpu.memref_squeeze %dma_start3A_13 : memref<1x79x128xi32, #tpu.memory_space<hbm>> -> memref<79x128xi32, #tpu.memory_space<hbm>>
      %dma_start3A_15 = arith.constant 0 : i32
      %dma_start3A_16 = arith.constant 0 : i32
      %dma_start3A_17 = tpu.memref_slice %arg2[%add3A, %dma_start3A_15, %dma_start3A_16] : memref<32x79x128xi32, #tpu.memory_space<hbm>> -> memref<1x79x128xi32, #tpu.memory_space<hbm>>
      %dma_start3A_18 = tpu.memref_squeeze %dma_start3A_17 : memref<1x79x128xi32, #tpu.memory_space<hbm>> -> memref<79x128xi32, #tpu.memory_space<hbm>>
      tpu.enqueue_dma source(%dma_start3A_18 : memref<79x128xi32, #tpu.memory_space<hbm>>) target(%arg6 : memref<79x128xi32, #tpu.memory_space<vmem>>) target_semaphore(%run_scoped3A : memref<!tpu.dma_semaphore, #tpu.memory_space<semaphore_mem>>)
      %dma_wait3A = arith.constant 0 : i32
      %dma_wait3A_19 = arith.constant 0 : i32
      %dma_wait3A_20 = tpu.memref_slice %arg2[%add3A, %dma_wait3A, %dma_wait3A_19] : memref<32x79x128xi32, #tpu.memory_space<hbm>> -> memref<1x79x128xi32, #tpu.memory_space<hbm>>
      %dma_wait3A_21 = tpu.memref_squeeze %dma_wait3A_20 : memref<1x79x128xi32, #tpu.memory_space<hbm>> -> memref<79x128xi32, #tpu.memory_space<hbm>>
      %dma_wait3A_22 = arith.constant 0 : i32
      %dma_wait3A_23 = arith.constant 0 : i32
      %dma_wait3A_24 = tpu.memref_slice %arg2[%add3A, %dma_wait3A_22, %dma_wait3A_23] : memref<32x79x128xi32, #tpu.memory_space<hbm>> -> memref<1x79x128xi32, #tpu.memory_space<hbm>>
      %dma_wait3A_25 = tpu.memref_squeeze %dma_wait3A_24 : memref<1x79x128xi32, #tpu.memory_space<hbm>> -> memref<79x128xi32, #tpu.memory_space<hbm>>
      tpu.wait_dma2 semaphore(%run_scoped3A : memref<!tpu.dma_semaphore, #tpu.memory_space<semaphore_mem>>) src(%dma_wait3A_25 : memref<79x128xi32, #tpu.memory_space<hbm>>) dst(%arg6 : memref<79x128xi32, #tpu.memory_space<vmem>>)
      tpu.yield
    }) : () -> ()
    %barrier3A = arith.constant 0 : index
    tpu.barrier barrier_id(%barrier3A)
    %scan3A = arith.constant 0 : i32
    %scan3A_3 = arith.constant 0 : i32
    %scan3A_4 = arith.constant 79 : i32
    %scan3A_5 = arith.addi %scan3A_3, %scan3A_4 : i32
    %scan3A_6 = arith.constant 1 : i32
    scf.for %scan3A_12 = %scan3A_3 to %scan3A_5 step %scan3A_6  : i32 {
      "tpu.region"() ({
        %run_scoped3A = tpu.sem_alloc : memref<!tpu.dma_semaphore, #tpu.memory_space<semaphore_mem>>
        %dma_start3A = arith.constant 0 : i32
        %dma_start3A_13 = tpu.memref_slice %arg6[%scan3A_12, %dma_start3A] : memref<79x128xi32, #tpu.memory_space<vmem>> -> memref<1x128xi32, #tpu.memory_space<vmem>>
        %dma_start3A_14 = tpu.memref_squeeze %dma_start3A_13 : memref<1x128xi32, #tpu.memory_space<vmem>> -> memref<128xi32, #tpu.memory_space<vmem>>
        %dma_start3A_15 = arith.constant 0 : i32
        %dma_start3A_16 = tpu.memref_slice %arg8[%dma_start3A_15] : memref<10240xf32, #tpu.memory_space<vmem_shared>> -> memref<10240xf32, #tpu.memory_space<vmem_shared>>
        tpu.enqueue_indirect_dma source(%arg7 : memref<128xf32, #tpu.memory_space<vmem>>) target(%dma_start3A_16 : memref<10240xf32, #tpu.memory_space<vmem_shared>>) offsets(%dma_start3A_14 : memref<128xi32, #tpu.memory_space<vmem>>) semaphore(%run_scoped3A : memref<!tpu.dma_semaphore, #tpu.memory_space<semaphore_mem>>) {add = true}
        %dma_wait3A = arith.constant 0 : i32
        %dma_wait3A_17 = tpu.memref_slice %arg6[%scan3A_12, %dma_wait3A] : memref<79x128xi32, #tpu.memory_space<vmem>> -> memref<1x128xi32, #tpu.memory_space<vmem>>
        %dma_wait3A_18 = tpu.memref_squeeze %dma_wait3A_17 : memref<1x128xi32, #tpu.memory_space<vmem>> -> memref<128xi32, #tpu.memory_space<vmem>>
        %dma_wait3A_19 = arith.constant 0 : i32
        %dma_wait3A_20 = tpu.memref_slice %arg8[%dma_wait3A_19] : memref<10240xf32, #tpu.memory_space<vmem_shared>> -> memref<10240xf32, #tpu.memory_space<vmem_shared>>
        tpu.wait_indirect_dma semaphore(%run_scoped3A : memref<!tpu.dma_semaphore, #tpu.memory_space<semaphore_mem>>) src(%arg7 : memref<128xf32, #tpu.memory_space<vmem>>) dst(%dma_wait3A_20 : memref<10240xf32, #tpu.memory_space<vmem_shared>>)
        tpu.yield
      }) : () -> ()
    }
    %scan3A_7 = arith.constant 79 : i32
    %barrier3A_8 = arith.constant 0 : index
    tpu.barrier barrier_id(%barrier3A_8)
    %mul3A_9 = arith.constant 10240 : i32
    %mul3A_10 = arith.muli %arg0, %mul3A_9 : i32
    %add3A_11 = arith.addi %mul3A_10, %mul3A_2 : i32
    "tpu.region"() ({
      %run_scoped3A = tpu.sem_alloc : memref<!tpu.dma_semaphore, #tpu.memory_space<semaphore_mem>>
      %dma_start3A = tpu.memref_slice %arg5[%add3A_11] : memref<20480xf32, #tpu.memory_space<hbm>> -> memref<640xf32, #tpu.memory_space<hbm>>
      %dma_start3A_12 = tpu.memref_slice %arg8[%mul3A_2] : memref<10240xf32, #tpu.memory_space<vmem_shared>> -> memref<640xf32, #tpu.memory_space<vmem_shared>>
      tpu.enqueue_dma source(%dma_start3A_12 : memref<640xf32, #tpu.memory_space<vmem_shared>>) target(%dma_start3A : memref<640xf32, #tpu.memory_space<hbm>>) target_semaphore(%run_scoped3A : memref<!tpu.dma_semaphore, #tpu.memory_space<semaphore_mem>>)
      %dma_wait3A = tpu.memref_slice %arg5[%add3A_11] : memref<20480xf32, #tpu.memory_space<hbm>> -> memref<640xf32, #tpu.memory_space<hbm>>
      %dma_wait3A_13 = tpu.memref_slice %arg8[%mul3A_2] : memref<10240xf32, #tpu.memory_space<vmem_shared>> -> memref<640xf32, #tpu.memory_space<vmem_shared>>
      tpu.wait_dma2 semaphore(%run_scoped3A : memref<!tpu.dma_semaphore, #tpu.memory_space<semaphore_mem>>) src(%dma_wait3A_13 : memref<640xf32, #tpu.memory_space<vmem_shared>>) dst(%dma_wait3A : memref<640xf32, #tpu.memory_space<hbm>>)
      tpu.yield
    }) : () -> ()
    return
  }
}

#map = affine_map<(d0, d1) -> (0, 0)>
#map1 = affine_map<(d0, d1) -> (0, 0, 0)>
module attributes {stable_mosaic.version = 14 : i64} {
  func.func @_agg_body(%arg0: i32, %arg1: i32, %arg2: memref<10240x128xf32, #tpu.memory_space<hbm>>, %arg3: memref<32x79x128xi32, #tpu.memory_space<hbm>>, %arg4: memref<32x79x128xi32, #tpu.memory_space<hbm>>, %arg5: memref<10240x128xf32, #tpu.memory_space<hbm>>, %arg6: memref<2x10240x128xf32, #tpu.memory_space<hbm>>, %arg7: memref<79x128xi32, #tpu.memory_space<vmem>>, %arg8: memref<79x128xi32, #tpu.memory_space<vmem>>, %arg9: memref<128x128xf32, #tpu.memory_space<vmem>>, %arg10: memref<10240x128xf32, #tpu.memory_space<vmem_shared>>, %arg11: memref<!tpu.dma_semaphore, #tpu.memory_space<semaphore_mem>>) attributes {dimension_semantics = [#tpu.dimension_semantics<core_parallel>, #tpu.dimension_semantics<subcore_parallel>], iteration_bounds = array<i64: 2, 16>, scalar_prefetch = 0 : i64, scratch_operands = 5 : i64, tpu.core_type = #tpu.core_type<sc_vector_subcore>, window_params = [{transform_indices = #map}, {transform_indices = #map1}, {transform_indices = #map1}, {transform_indices = #map}, {transform_indices = #map1}]} {
    %mul3A = arith.constant 16 : i32
    %mul3A_0 = arith.muli %arg0, %mul3A : i32
    %add3A = arith.addi %mul3A_0, %arg1 : i32
    %mul3A_1 = arith.constant 640 : i32
    %mul3A_2 = arith.muli %arg1, %mul3A_1 : i32
    "tpu.region"() ({
      %run_scoped3A = tpu.sem_alloc : memref<!tpu.dma_semaphore, #tpu.memory_space<semaphore_mem>>
      %dma_start3A = arith.constant 0 : i32
      %dma_start3A_9 = tpu.memref_slice %arg10[%mul3A_2, %dma_start3A] : memref<10240x128xf32, #tpu.memory_space<vmem_shared>> -> memref<640x128xf32, #tpu.memory_space<vmem_shared>>
      %dma_start3A_10 = arith.constant 0 : i32
      %dma_start3A_11 = tpu.memref_slice %arg5[%mul3A_2, %dma_start3A_10] : memref<10240x128xf32, #tpu.memory_space<hbm>> -> memref<640x128xf32, #tpu.memory_space<hbm>>
      tpu.enqueue_dma source(%dma_start3A_11 : memref<640x128xf32, #tpu.memory_space<hbm>>) target(%dma_start3A_9 : memref<640x128xf32, #tpu.memory_space<vmem_shared>>) target_semaphore(%run_scoped3A : memref<!tpu.dma_semaphore, #tpu.memory_space<semaphore_mem>>)
      %dma_wait3A = arith.constant 0 : i32
      %dma_wait3A_12 = tpu.memref_slice %arg10[%mul3A_2, %dma_wait3A] : memref<10240x128xf32, #tpu.memory_space<vmem_shared>> -> memref<640x128xf32, #tpu.memory_space<vmem_shared>>
      %dma_wait3A_13 = arith.constant 0 : i32
      %dma_wait3A_14 = tpu.memref_slice %arg5[%mul3A_2, %dma_wait3A_13] : memref<10240x128xf32, #tpu.memory_space<hbm>> -> memref<640x128xf32, #tpu.memory_space<hbm>>
      tpu.wait_dma2 semaphore(%run_scoped3A : memref<!tpu.dma_semaphore, #tpu.memory_space<semaphore_mem>>) src(%dma_wait3A_14 : memref<640x128xf32, #tpu.memory_space<hbm>>) dst(%dma_wait3A_12 : memref<640x128xf32, #tpu.memory_space<vmem_shared>>)
      tpu.yield
    }) : () -> ()
    "tpu.region"() ({
      %run_scoped3A = tpu.sem_alloc : memref<!tpu.dma_semaphore, #tpu.memory_space<semaphore_mem>>
      %dma_start3A = arith.constant 0 : i32
      %dma_start3A_9 = arith.constant 0 : i32
      %dma_start3A_10 = tpu.memref_slice %arg3[%add3A, %dma_start3A, %dma_start3A_9] : memref<32x79x128xi32, #tpu.memory_space<hbm>> -> memref<1x79x128xi32, #tpu.memory_space<hbm>>
      %dma_start3A_11 = tpu.memref_squeeze %dma_start3A_10 : memref<1x79x128xi32, #tpu.memory_space<hbm>> -> memref<79x128xi32, #tpu.memory_space<hbm>>
      %dma_start3A_12 = arith.constant 0 : i32
      %dma_start3A_13 = arith.constant 0 : i32
      %dma_start3A_14 = tpu.memref_slice %arg3[%add3A, %dma_start3A_12, %dma_start3A_13] : memref<32x79x128xi32, #tpu.memory_space<hbm>> -> memref<1x79x128xi32, #tpu.memory_space<hbm>>
      %dma_start3A_15 = tpu.memref_squeeze %dma_start3A_14 : memref<1x79x128xi32, #tpu.memory_space<hbm>> -> memref<79x128xi32, #tpu.memory_space<hbm>>
      tpu.enqueue_dma source(%dma_start3A_15 : memref<79x128xi32, #tpu.memory_space<hbm>>) target(%arg7 : memref<79x128xi32, #tpu.memory_space<vmem>>) target_semaphore(%run_scoped3A : memref<!tpu.dma_semaphore, #tpu.memory_space<semaphore_mem>>)
      %dma_wait3A = arith.constant 0 : i32
      %dma_wait3A_16 = arith.constant 0 : i32
      %dma_wait3A_17 = tpu.memref_slice %arg3[%add3A, %dma_wait3A, %dma_wait3A_16] : memref<32x79x128xi32, #tpu.memory_space<hbm>> -> memref<1x79x128xi32, #tpu.memory_space<hbm>>
      %dma_wait3A_18 = tpu.memref_squeeze %dma_wait3A_17 : memref<1x79x128xi32, #tpu.memory_space<hbm>> -> memref<79x128xi32, #tpu.memory_space<hbm>>
      %dma_wait3A_19 = arith.constant 0 : i32
      %dma_wait3A_20 = arith.constant 0 : i32
      %dma_wait3A_21 = tpu.memref_slice %arg3[%add3A, %dma_wait3A_19, %dma_wait3A_20] : memref<32x79x128xi32, #tpu.memory_space<hbm>> -> memref<1x79x128xi32, #tpu.memory_space<hbm>>
      %dma_wait3A_22 = tpu.memref_squeeze %dma_wait3A_21 : memref<1x79x128xi32, #tpu.memory_space<hbm>> -> memref<79x128xi32, #tpu.memory_space<hbm>>
      tpu.wait_dma2 semaphore(%run_scoped3A : memref<!tpu.dma_semaphore, #tpu.memory_space<semaphore_mem>>) src(%dma_wait3A_22 : memref<79x128xi32, #tpu.memory_space<hbm>>) dst(%arg7 : memref<79x128xi32, #tpu.memory_space<vmem>>)
      tpu.yield
    }) : () -> ()
    "tpu.region"() ({
      %run_scoped3A = tpu.sem_alloc : memref<!tpu.dma_semaphore, #tpu.memory_space<semaphore_mem>>
      %dma_start3A = arith.constant 0 : i32
      %dma_start3A_9 = arith.constant 0 : i32
      %dma_start3A_10 = tpu.memref_slice %arg4[%add3A, %dma_start3A, %dma_start3A_9] : memref<32x79x128xi32, #tpu.memory_space<hbm>> -> memref<1x79x128xi32, #tpu.memory_space<hbm>>
      %dma_start3A_11 = tpu.memref_squeeze %dma_start3A_10 : memref<1x79x128xi32, #tpu.memory_space<hbm>> -> memref<79x128xi32, #tpu.memory_space<hbm>>
      %dma_start3A_12 = arith.constant 0 : i32
      %dma_start3A_13 = arith.constant 0 : i32
      %dma_start3A_14 = tpu.memref_slice %arg4[%add3A, %dma_start3A_12, %dma_start3A_13] : memref<32x79x128xi32, #tpu.memory_space<hbm>> -> memref<1x79x128xi32, #tpu.memory_space<hbm>>
      %dma_start3A_15 = tpu.memref_squeeze %dma_start3A_14 : memref<1x79x128xi32, #tpu.memory_space<hbm>> -> memref<79x128xi32, #tpu.memory_space<hbm>>
      tpu.enqueue_dma source(%dma_start3A_15 : memref<79x128xi32, #tpu.memory_space<hbm>>) target(%arg8 : memref<79x128xi32, #tpu.memory_space<vmem>>) target_semaphore(%run_scoped3A : memref<!tpu.dma_semaphore, #tpu.memory_space<semaphore_mem>>)
      %dma_wait3A = arith.constant 0 : i32
      %dma_wait3A_16 = arith.constant 0 : i32
      %dma_wait3A_17 = tpu.memref_slice %arg4[%add3A, %dma_wait3A, %dma_wait3A_16] : memref<32x79x128xi32, #tpu.memory_space<hbm>> -> memref<1x79x128xi32, #tpu.memory_space<hbm>>
      %dma_wait3A_18 = tpu.memref_squeeze %dma_wait3A_17 : memref<1x79x128xi32, #tpu.memory_space<hbm>> -> memref<79x128xi32, #tpu.memory_space<hbm>>
      %dma_wait3A_19 = arith.constant 0 : i32
      %dma_wait3A_20 = arith.constant 0 : i32
      %dma_wait3A_21 = tpu.memref_slice %arg4[%add3A, %dma_wait3A_19, %dma_wait3A_20] : memref<32x79x128xi32, #tpu.memory_space<hbm>> -> memref<1x79x128xi32, #tpu.memory_space<hbm>>
      %dma_wait3A_22 = tpu.memref_squeeze %dma_wait3A_21 : memref<1x79x128xi32, #tpu.memory_space<hbm>> -> memref<79x128xi32, #tpu.memory_space<hbm>>
      tpu.wait_dma2 semaphore(%run_scoped3A : memref<!tpu.dma_semaphore, #tpu.memory_space<semaphore_mem>>) src(%dma_wait3A_22 : memref<79x128xi32, #tpu.memory_space<hbm>>) dst(%arg8 : memref<79x128xi32, #tpu.memory_space<vmem>>)
      tpu.yield
    }) : () -> ()
    %barrier3A = arith.constant 0 : index
    tpu.barrier barrier_id(%barrier3A)
    %scan3A = arith.constant 0 : i32
    %scan3A_3 = arith.constant 0 : i32
    %scan3A_4 = arith.constant 79 : i32
    %scan3A_5 = arith.addi %scan3A_3, %scan3A_4 : i32
    %scan3A_6 = arith.constant 1 : i32
    scf.for %scan3A_9 = %scan3A_3 to %scan3A_5 step %scan3A_6  : i32 {
      %dma_start3A = arith.constant 0 : i32
      %dma_start3A_10 = tpu.memref_slice %arg7[%scan3A_9, %dma_start3A] : memref<79x128xi32, #tpu.memory_space<vmem>> -> memref<1x128xi32, #tpu.memory_space<vmem>>
      %dma_start3A_11 = tpu.memref_squeeze %dma_start3A_10 : memref<1x128xi32, #tpu.memory_space<vmem>> -> memref<128xi32, #tpu.memory_space<vmem>>
      %dma_start3A_12 = arith.constant 0 : i32
      %dma_start3A_13 = arith.constant 0 : i32
      %dma_start3A_14 = tpu.memref_slice %arg2[%dma_start3A_12, %dma_start3A_13] : memref<10240x128xf32, #tpu.memory_space<hbm>> -> memref<10240x128xf32, #tpu.memory_space<hbm>>
      tpu.enqueue_indirect_dma source(%dma_start3A_14 : memref<10240x128xf32, #tpu.memory_space<hbm>>) target(%arg9 : memref<128x128xf32, #tpu.memory_space<vmem>>) offsets(%dma_start3A_11 : memref<128xi32, #tpu.memory_space<vmem>>) semaphore(%arg11 : memref<!tpu.dma_semaphore, #tpu.memory_space<semaphore_mem>>)
      %dma_wait3A = arith.constant 0 : i32
      %dma_wait3A_15 = tpu.memref_slice %arg7[%scan3A_9, %dma_wait3A] : memref<79x128xi32, #tpu.memory_space<vmem>> -> memref<1x128xi32, #tpu.memory_space<vmem>>
      %dma_wait3A_16 = tpu.memref_squeeze %dma_wait3A_15 : memref<1x128xi32, #tpu.memory_space<vmem>> -> memref<128xi32, #tpu.memory_space<vmem>>
      %dma_wait3A_17 = arith.constant 0 : i32
      %dma_wait3A_18 = arith.constant 0 : i32
      %dma_wait3A_19 = tpu.memref_slice %arg2[%dma_wait3A_17, %dma_wait3A_18] : memref<10240x128xf32, #tpu.memory_space<hbm>> -> memref<10240x128xf32, #tpu.memory_space<hbm>>
      tpu.wait_indirect_dma semaphore(%arg11 : memref<!tpu.dma_semaphore, #tpu.memory_space<semaphore_mem>>) src(%dma_wait3A_19 : memref<10240x128xf32, #tpu.memory_space<hbm>>) dst(%arg9 : memref<128x128xf32, #tpu.memory_space<vmem>>)
      "tpu.region"() ({
        %run_scoped3A = tpu.sem_alloc : memref<!tpu.dma_semaphore, #tpu.memory_space<semaphore_mem>>
        %dma_start3A_20 = arith.constant 0 : i32
        %dma_start3A_21 = tpu.memref_slice %arg8[%scan3A_9, %dma_start3A_20] : memref<79x128xi32, #tpu.memory_space<vmem>> -> memref<1x128xi32, #tpu.memory_space<vmem>>
        %dma_start3A_22 = tpu.memref_squeeze %dma_start3A_21 : memref<1x128xi32, #tpu.memory_space<vmem>> -> memref<128xi32, #tpu.memory_space<vmem>>
        %dma_start3A_23 = arith.constant 0 : i32
        %dma_start3A_24 = arith.constant 0 : i32
        %dma_start3A_25 = tpu.memref_slice %arg10[%dma_start3A_23, %dma_start3A_24] : memref<10240x128xf32, #tpu.memory_space<vmem_shared>> -> memref<10240x128xf32, #tpu.memory_space<vmem_shared>>
        tpu.enqueue_indirect_dma source(%arg9 : memref<128x128xf32, #tpu.memory_space<vmem>>) target(%dma_start3A_25 : memref<10240x128xf32, #tpu.memory_space<vmem_shared>>) offsets(%dma_start3A_22 : memref<128xi32, #tpu.memory_space<vmem>>) semaphore(%run_scoped3A : memref<!tpu.dma_semaphore, #tpu.memory_space<semaphore_mem>>) {add = true}
        %dma_wait3A_26 = arith.constant 0 : i32
        %dma_wait3A_27 = tpu.memref_slice %arg8[%scan3A_9, %dma_wait3A_26] : memref<79x128xi32, #tpu.memory_space<vmem>> -> memref<1x128xi32, #tpu.memory_space<vmem>>
        %dma_wait3A_28 = tpu.memref_squeeze %dma_wait3A_27 : memref<1x128xi32, #tpu.memory_space<vmem>> -> memref<128xi32, #tpu.memory_space<vmem>>
        %dma_wait3A_29 = arith.constant 0 : i32
        %dma_wait3A_30 = arith.constant 0 : i32
        %dma_wait3A_31 = tpu.memref_slice %arg10[%dma_wait3A_29, %dma_wait3A_30] : memref<10240x128xf32, #tpu.memory_space<vmem_shared>> -> memref<10240x128xf32, #tpu.memory_space<vmem_shared>>
        tpu.wait_indirect_dma semaphore(%run_scoped3A : memref<!tpu.dma_semaphore, #tpu.memory_space<semaphore_mem>>) src(%arg9 : memref<128x128xf32, #tpu.memory_space<vmem>>) dst(%dma_wait3A_31 : memref<10240x128xf32, #tpu.memory_space<vmem_shared>>)
        tpu.yield
      }) : () -> ()
    }
    %scan3A_7 = arith.constant 79 : i32
    %barrier3A_8 = arith.constant 0 : index
    tpu.barrier barrier_id(%barrier3A_8)
    "tpu.region"() ({
      %run_scoped3A = tpu.sem_alloc : memref<!tpu.dma_semaphore, #tpu.memory_space<semaphore_mem>>
      %dma_start3A = arith.constant 0 : i32
      %dma_start3A_9 = tpu.memref_slice %arg6[%arg0, %mul3A_2, %dma_start3A] : memref<2x10240x128xf32, #tpu.memory_space<hbm>> -> memref<1x640x128xf32, #tpu.memory_space<hbm>>
      %dma_start3A_10 = tpu.memref_squeeze %dma_start3A_9 : memref<1x640x128xf32, #tpu.memory_space<hbm>> -> memref<640x128xf32, #tpu.memory_space<hbm>>
      %dma_start3A_11 = arith.constant 0 : i32
      %dma_start3A_12 = tpu.memref_slice %arg10[%mul3A_2, %dma_start3A_11] : memref<10240x128xf32, #tpu.memory_space<vmem_shared>> -> memref<640x128xf32, #tpu.memory_space<vmem_shared>>
      tpu.enqueue_dma source(%dma_start3A_12 : memref<640x128xf32, #tpu.memory_space<vmem_shared>>) target(%dma_start3A_10 : memref<640x128xf32, #tpu.memory_space<hbm>>) target_semaphore(%run_scoped3A : memref<!tpu.dma_semaphore, #tpu.memory_space<semaphore_mem>>)
      %dma_wait3A = arith.constant 0 : i32
      %dma_wait3A_13 = tpu.memref_slice %arg6[%arg0, %mul3A_2, %dma_wait3A] : memref<2x10240x128xf32, #tpu.memory_space<hbm>> -> memref<1x640x128xf32, #tpu.memory_space<hbm>>
      %dma_wait3A_14 = tpu.memref_squeeze %dma_wait3A_13 : memref<1x640x128xf32, #tpu.memory_space<hbm>> -> memref<640x128xf32, #tpu.memory_space<hbm>>
      %dma_wait3A_15 = arith.constant 0 : i32
      %dma_wait3A_16 = tpu.memref_slice %arg10[%mul3A_2, %dma_wait3A_15] : memref<10240x128xf32, #tpu.memory_space<vmem_shared>> -> memref<640x128xf32, #tpu.memory_space<vmem_shared>>
      tpu.wait_dma2 semaphore(%run_scoped3A : memref<!tpu.dma_semaphore, #tpu.memory_space<semaphore_mem>>) src(%dma_wait3A_16 : memref<640x128xf32, #tpu.memory_space<vmem_shared>>) dst(%dma_wait3A_14 : memref<640x128xf32, #tpu.memory_space<hbm>>)
      tpu.yield
    }) : () -> ()
    return
  }
}

#map = affine_map<(d0, d1) -> (0, 0)>
#map1 = affine_map<(d0, d1) -> (0, 0, 0)>
module attributes {stable_mosaic.version = 14 : i64} {
  func.func @_agg_body(%arg0: i32, %arg1: i32, %arg2: memref<10240x128xf32, #tpu.memory_space<hbm>>, %arg3: memref<32x79x128xi32, #tpu.memory_space<hbm>>, %arg4: memref<32x79x128xi32, #tpu.memory_space<hbm>>, %arg5: memref<10240x128xf32, #tpu.memory_space<hbm>>, %arg6: memref<2x10240x128xf32, #tpu.memory_space<hbm>>, %arg7: memref<79x128xi32, #tpu.memory_space<vmem>>, %arg8: memref<79x128xi32, #tpu.memory_space<vmem>>, %arg9: memref<128x128xf32, #tpu.memory_space<vmem>>, %arg10: memref<10240x128xf32, #tpu.memory_space<vmem_shared>>, %arg11: memref<!tpu.dma_semaphore, #tpu.memory_space<semaphore_mem>>) attributes {dimension_semantics = [#tpu.dimension_semantics<core_parallel>, #tpu.dimension_semantics<subcore_parallel>], iteration_bounds = array<i64: 2, 16>, scalar_prefetch = 0 : i64, scratch_operands = 5 : i64, tpu.core_type = #tpu.core_type<sc_vector_subcore>, window_params = [{transform_indices = #map}, {transform_indices = #map1}, {transform_indices = #map1}, {transform_indices = #map}, {transform_indices = #map1}]} {
    %mul3A = arith.constant 16 : i32
    %mul3A_0 = arith.muli %arg0, %mul3A : i32
    %add3A = arith.addi %mul3A_0, %arg1 : i32
    %mul3A_1 = arith.constant 640 : i32
    %mul3A_2 = arith.muli %arg1, %mul3A_1 : i32
    "tpu.region"() ({
      %run_scoped3A = tpu.sem_alloc : memref<!tpu.dma_semaphore, #tpu.memory_space<semaphore_mem>>
      %dma_start3A = arith.constant 0 : i32
      %dma_start3A_9 = tpu.memref_slice %arg10[%mul3A_2, %dma_start3A] : memref<10240x128xf32, #tpu.memory_space<vmem_shared>> -> memref<640x128xf32, #tpu.memory_space<vmem_shared>>
      %dma_start3A_10 = arith.constant 0 : i32
      %dma_start3A_11 = tpu.memref_slice %arg5[%mul3A_2, %dma_start3A_10] : memref<10240x128xf32, #tpu.memory_space<hbm>> -> memref<640x128xf32, #tpu.memory_space<hbm>>
      tpu.enqueue_dma source(%dma_start3A_11 : memref<640x128xf32, #tpu.memory_space<hbm>>) target(%dma_start3A_9 : memref<640x128xf32, #tpu.memory_space<vmem_shared>>) target_semaphore(%run_scoped3A : memref<!tpu.dma_semaphore, #tpu.memory_space<semaphore_mem>>)
      %dma_wait3A = arith.constant 0 : i32
      %dma_wait3A_12 = tpu.memref_slice %arg10[%mul3A_2, %dma_wait3A] : memref<10240x128xf32, #tpu.memory_space<vmem_shared>> -> memref<640x128xf32, #tpu.memory_space<vmem_shared>>
      %dma_wait3A_13 = arith.constant 0 : i32
      %dma_wait3A_14 = tpu.memref_slice %arg5[%mul3A_2, %dma_wait3A_13] : memref<10240x128xf32, #tpu.memory_space<hbm>> -> memref<640x128xf32, #tpu.memory_space<hbm>>
      tpu.wait_dma2 semaphore(%run_scoped3A : memref<!tpu.dma_semaphore, #tpu.memory_space<semaphore_mem>>) src(%dma_wait3A_14 : memref<640x128xf32, #tpu.memory_space<hbm>>) dst(%dma_wait3A_12 : memref<640x128xf32, #tpu.memory_space<vmem_shared>>)
      tpu.yield
    }) : () -> ()
    "tpu.region"() ({
      %run_scoped3A = tpu.sem_alloc : memref<!tpu.dma_semaphore, #tpu.memory_space<semaphore_mem>>
      %dma_start3A = arith.constant 0 : i32
      %dma_start3A_9 = arith.constant 0 : i32
      %dma_start3A_10 = tpu.memref_slice %arg3[%add3A, %dma_start3A, %dma_start3A_9] : memref<32x79x128xi32, #tpu.memory_space<hbm>> -> memref<1x79x128xi32, #tpu.memory_space<hbm>>
      %dma_start3A_11 = tpu.memref_squeeze %dma_start3A_10 : memref<1x79x128xi32, #tpu.memory_space<hbm>> -> memref<79x128xi32, #tpu.memory_space<hbm>>
      %dma_start3A_12 = arith.constant 0 : i32
      %dma_start3A_13 = arith.constant 0 : i32
      %dma_start3A_14 = tpu.memref_slice %arg3[%add3A, %dma_start3A_12, %dma_start3A_13] : memref<32x79x128xi32, #tpu.memory_space<hbm>> -> memref<1x79x128xi32, #tpu.memory_space<hbm>>
      %dma_start3A_15 = tpu.memref_squeeze %dma_start3A_14 : memref<1x79x128xi32, #tpu.memory_space<hbm>> -> memref<79x128xi32, #tpu.memory_space<hbm>>
      tpu.enqueue_dma source(%dma_start3A_15 : memref<79x128xi32, #tpu.memory_space<hbm>>) target(%arg7 : memref<79x128xi32, #tpu.memory_space<vmem>>) target_semaphore(%run_scoped3A : memref<!tpu.dma_semaphore, #tpu.memory_space<semaphore_mem>>)
      %dma_wait3A = arith.constant 0 : i32
      %dma_wait3A_16 = arith.constant 0 : i32
      %dma_wait3A_17 = tpu.memref_slice %arg3[%add3A, %dma_wait3A, %dma_wait3A_16] : memref<32x79x128xi32, #tpu.memory_space<hbm>> -> memref<1x79x128xi32, #tpu.memory_space<hbm>>
      %dma_wait3A_18 = tpu.memref_squeeze %dma_wait3A_17 : memref<1x79x128xi32, #tpu.memory_space<hbm>> -> memref<79x128xi32, #tpu.memory_space<hbm>>
      %dma_wait3A_19 = arith.constant 0 : i32
      %dma_wait3A_20 = arith.constant 0 : i32
      %dma_wait3A_21 = tpu.memref_slice %arg3[%add3A, %dma_wait3A_19, %dma_wait3A_20] : memref<32x79x128xi32, #tpu.memory_space<hbm>> -> memref<1x79x128xi32, #tpu.memory_space<hbm>>
      %dma_wait3A_22 = tpu.memref_squeeze %dma_wait3A_21 : memref<1x79x128xi32, #tpu.memory_space<hbm>> -> memref<79x128xi32, #tpu.memory_space<hbm>>
      tpu.wait_dma2 semaphore(%run_scoped3A : memref<!tpu.dma_semaphore, #tpu.memory_space<semaphore_mem>>) src(%dma_wait3A_22 : memref<79x128xi32, #tpu.memory_space<hbm>>) dst(%arg7 : memref<79x128xi32, #tpu.memory_space<vmem>>)
      tpu.yield
    }) : () -> ()
    "tpu.region"() ({
      %run_scoped3A = tpu.sem_alloc : memref<!tpu.dma_semaphore, #tpu.memory_space<semaphore_mem>>
      %dma_start3A = arith.constant 0 : i32
      %dma_start3A_9 = arith.constant 0 : i32
      %dma_start3A_10 = tpu.memref_slice %arg4[%add3A, %dma_start3A, %dma_start3A_9] : memref<32x79x128xi32, #tpu.memory_space<hbm>> -> memref<1x79x128xi32, #tpu.memory_space<hbm>>
      %dma_start3A_11 = tpu.memref_squeeze %dma_start3A_10 : memref<1x79x128xi32, #tpu.memory_space<hbm>> -> memref<79x128xi32, #tpu.memory_space<hbm>>
      %dma_start3A_12 = arith.constant 0 : i32
      %dma_start3A_13 = arith.constant 0 : i32
      %dma_start3A_14 = tpu.memref_slice %arg4[%add3A, %dma_start3A_12, %dma_start3A_13] : memref<32x79x128xi32, #tpu.memory_space<hbm>> -> memref<1x79x128xi32, #tpu.memory_space<hbm>>
      %dma_start3A_15 = tpu.memref_squeeze %dma_start3A_14 : memref<1x79x128xi32, #tpu.memory_space<hbm>> -> memref<79x128xi32, #tpu.memory_space<hbm>>
      tpu.enqueue_dma source(%dma_start3A_15 : memref<79x128xi32, #tpu.memory_space<hbm>>) target(%arg8 : memref<79x128xi32, #tpu.memory_space<vmem>>) target_semaphore(%run_scoped3A : memref<!tpu.dma_semaphore, #tpu.memory_space<semaphore_mem>>)
      %dma_wait3A = arith.constant 0 : i32
      %dma_wait3A_16 = arith.constant 0 : i32
      %dma_wait3A_17 = tpu.memref_slice %arg4[%add3A, %dma_wait3A, %dma_wait3A_16] : memref<32x79x128xi32, #tpu.memory_space<hbm>> -> memref<1x79x128xi32, #tpu.memory_space<hbm>>
      %dma_wait3A_18 = tpu.memref_squeeze %dma_wait3A_17 : memref<1x79x128xi32, #tpu.memory_space<hbm>> -> memref<79x128xi32, #tpu.memory_space<hbm>>
      %dma_wait3A_19 = arith.constant 0 : i32
      %dma_wait3A_20 = arith.constant 0 : i32
      %dma_wait3A_21 = tpu.memref_slice %arg4[%add3A, %dma_wait3A_19, %dma_wait3A_20] : memref<32x79x128xi32, #tpu.memory_space<hbm>> -> memref<1x79x128xi32, #tpu.memory_space<hbm>>
      %dma_wait3A_22 = tpu.memref_squeeze %dma_wait3A_21 : memref<1x79x128xi32, #tpu.memory_space<hbm>> -> memref<79x128xi32, #tpu.memory_space<hbm>>
      tpu.wait_dma2 semaphore(%run_scoped3A : memref<!tpu.dma_semaphore, #tpu.memory_space<semaphore_mem>>) src(%dma_wait3A_22 : memref<79x128xi32, #tpu.memory_space<hbm>>) dst(%arg8 : memref<79x128xi32, #tpu.memory_space<vmem>>)
      tpu.yield
    }) : () -> ()
    %barrier3A = arith.constant 0 : index
    tpu.barrier barrier_id(%barrier3A)
    %scan3A = arith.constant 0 : i32
    %scan3A_3 = arith.constant 0 : i32
    %scan3A_4 = arith.constant 79 : i32
    %scan3A_5 = arith.addi %scan3A_3, %scan3A_4 : i32
    %scan3A_6 = arith.constant 1 : i32
    scf.for %scan3A_9 = %scan3A_3 to %scan3A_5 step %scan3A_6  : i32 {
      %dma_start3A = arith.constant 0 : i32
      %dma_start3A_10 = tpu.memref_slice %arg7[%scan3A_9, %dma_start3A] : memref<79x128xi32, #tpu.memory_space<vmem>> -> memref<1x128xi32, #tpu.memory_space<vmem>>
      %dma_start3A_11 = tpu.memref_squeeze %dma_start3A_10 : memref<1x128xi32, #tpu.memory_space<vmem>> -> memref<128xi32, #tpu.memory_space<vmem>>
      %dma_start3A_12 = arith.constant 0 : i32
      %dma_start3A_13 = arith.constant 0 : i32
      %dma_start3A_14 = tpu.memref_slice %arg2[%dma_start3A_12, %dma_start3A_13] : memref<10240x128xf32, #tpu.memory_space<hbm>> -> memref<10240x128xf32, #tpu.memory_space<hbm>>
      tpu.enqueue_indirect_dma source(%dma_start3A_14 : memref<10240x128xf32, #tpu.memory_space<hbm>>) target(%arg9 : memref<128x128xf32, #tpu.memory_space<vmem>>) offsets(%dma_start3A_11 : memref<128xi32, #tpu.memory_space<vmem>>) semaphore(%arg11 : memref<!tpu.dma_semaphore, #tpu.memory_space<semaphore_mem>>)
      %dma_wait3A = arith.constant 0 : i32
      %dma_wait3A_15 = tpu.memref_slice %arg7[%scan3A_9, %dma_wait3A] : memref<79x128xi32, #tpu.memory_space<vmem>> -> memref<1x128xi32, #tpu.memory_space<vmem>>
      %dma_wait3A_16 = tpu.memref_squeeze %dma_wait3A_15 : memref<1x128xi32, #tpu.memory_space<vmem>> -> memref<128xi32, #tpu.memory_space<vmem>>
      %dma_wait3A_17 = arith.constant 0 : i32
      %dma_wait3A_18 = arith.constant 0 : i32
      %dma_wait3A_19 = tpu.memref_slice %arg2[%dma_wait3A_17, %dma_wait3A_18] : memref<10240x128xf32, #tpu.memory_space<hbm>> -> memref<10240x128xf32, #tpu.memory_space<hbm>>
      tpu.wait_indirect_dma semaphore(%arg11 : memref<!tpu.dma_semaphore, #tpu.memory_space<semaphore_mem>>) src(%dma_wait3A_19 : memref<10240x128xf32, #tpu.memory_space<hbm>>) dst(%arg9 : memref<128x128xf32, #tpu.memory_space<vmem>>)
      "tpu.region"() ({
        %run_scoped3A = tpu.sem_alloc : memref<!tpu.dma_semaphore, #tpu.memory_space<semaphore_mem>>
        %dma_start3A_20 = arith.constant 0 : i32
        %dma_start3A_21 = tpu.memref_slice %arg8[%scan3A_9, %dma_start3A_20] : memref<79x128xi32, #tpu.memory_space<vmem>> -> memref<1x128xi32, #tpu.memory_space<vmem>>
        %dma_start3A_22 = tpu.memref_squeeze %dma_start3A_21 : memref<1x128xi32, #tpu.memory_space<vmem>> -> memref<128xi32, #tpu.memory_space<vmem>>
        %dma_start3A_23 = arith.constant 0 : i32
        %dma_start3A_24 = arith.constant 0 : i32
        %dma_start3A_25 = tpu.memref_slice %arg10[%dma_start3A_23, %dma_start3A_24] : memref<10240x128xf32, #tpu.memory_space<vmem_shared>> -> memref<10240x128xf32, #tpu.memory_space<vmem_shared>>
        tpu.enqueue_indirect_dma source(%arg9 : memref<128x128xf32, #tpu.memory_space<vmem>>) target(%dma_start3A_25 : memref<10240x128xf32, #tpu.memory_space<vmem_shared>>) offsets(%dma_start3A_22 : memref<128xi32, #tpu.memory_space<vmem>>) semaphore(%run_scoped3A : memref<!tpu.dma_semaphore, #tpu.memory_space<semaphore_mem>>) {add = true}
        %dma_wait3A_26 = arith.constant 0 : i32
        %dma_wait3A_27 = tpu.memref_slice %arg8[%scan3A_9, %dma_wait3A_26] : memref<79x128xi32, #tpu.memory_space<vmem>> -> memref<1x128xi32, #tpu.memory_space<vmem>>
        %dma_wait3A_28 = tpu.memref_squeeze %dma_wait3A_27 : memref<1x128xi32, #tpu.memory_space<vmem>> -> memref<128xi32, #tpu.memory_space<vmem>>
        %dma_wait3A_29 = arith.constant 0 : i32
        %dma_wait3A_30 = arith.constant 0 : i32
        %dma_wait3A_31 = tpu.memref_slice %arg10[%dma_wait3A_29, %dma_wait3A_30] : memref<10240x128xf32, #tpu.memory_space<vmem_shared>> -> memref<10240x128xf32, #tpu.memory_space<vmem_shared>>
        tpu.wait_indirect_dma semaphore(%run_scoped3A : memref<!tpu.dma_semaphore, #tpu.memory_space<semaphore_mem>>) src(%arg9 : memref<128x128xf32, #tpu.memory_space<vmem>>) dst(%dma_wait3A_31 : memref<10240x128xf32, #tpu.memory_space<vmem_shared>>)
        tpu.yield
      }) : () -> ()
    }
    %scan3A_7 = arith.constant 79 : i32
    %barrier3A_8 = arith.constant 0 : index
    tpu.barrier barrier_id(%barrier3A_8)
    "tpu.region"() ({
      %run_scoped3A = tpu.sem_alloc : memref<!tpu.dma_semaphore, #tpu.memory_space<semaphore_mem>>
      %dma_start3A = arith.constant 0 : i32
      %dma_start3A_9 = tpu.memref_slice %arg6[%arg0, %mul3A_2, %dma_start3A] : memref<2x10240x128xf32, #tpu.memory_space<hbm>> -> memref<1x640x128xf32, #tpu.memory_space<hbm>>
      %dma_start3A_10 = tpu.memref_squeeze %dma_start3A_9 : memref<1x640x128xf32, #tpu.memory_space<hbm>> -> memref<640x128xf32, #tpu.memory_space<hbm>>
      %dma_start3A_11 = arith.constant 0 : i32
      %dma_start3A_12 = tpu.memref_slice %arg10[%mul3A_2, %dma_start3A_11] : memref<10240x128xf32, #tpu.memory_space<vmem_shared>> -> memref<640x128xf32, #tpu.memory_space<vmem_shared>>
      tpu.enqueue_dma source(%dma_start3A_12 : memref<640x128xf32, #tpu.memory_space<vmem_shared>>) target(%dma_start3A_10 : memref<640x128xf32, #tpu.memory_space<hbm>>) target_semaphore(%run_scoped3A : memref<!tpu.dma_semaphore, #tpu.memory_space<semaphore_mem>>)
      %dma_wait3A = arith.constant 0 : i32
      %dma_wait3A_13 = tpu.memref_slice %arg6[%arg0, %mul3A_2, %dma_wait3A] : memref<2x10240x128xf32, #tpu.memory_space<hbm>> -> memref<1x640x128xf32, #tpu.memory_space<hbm>>
      %dma_wait3A_14 = tpu.memref_squeeze %dma_wait3A_13 : memref<1x640x128xf32, #tpu.memory_space<hbm>> -> memref<640x128xf32, #tpu.memory_space<hbm>>
      %dma_wait3A_15 = arith.constant 0 : i32
      %dma_wait3A_16 = tpu.memref_slice %arg10[%mul3A_2, %dma_wait3A_15] : memref<10240x128xf32, #tpu.memory_space<vmem_shared>> -> memref<640x128xf32, #tpu.memory_space<vmem_shared>>
      tpu.wait_dma2 semaphore(%run_scoped3A : memref<!tpu.dma_semaphore, #tpu.memory_space<semaphore_mem>>) src(%dma_wait3A_16 : memref<640x128xf32, #tpu.memory_space<vmem_shared>>) dst(%dma_wait3A_14 : memref<640x128xf32, #tpu.memory_space<hbm>>)
      tpu.yield
    }) : () -> ()
    return
  }
}

module attributes {stable_mosaic.version = 14 : i64} {
  func.func @_tc1_body(%arg0: i32, %arg1: memref<1280x128xf32, #tpu.memory_space<vmem>>, %arg2: memref<128x128xf32, #tpu.memory_space<vmem>>, %arg3: memref<1280x2xf32, #tpu.memory_space<vmem>>, %arg4: memref<1280x128xf32, #tpu.memory_space<vmem>>) attributes {dimension_semantics = [#tpu.dimension_semantics<arbitrary>], iteration_bounds = array<i64: 8>, scalar_prefetch = 0 : i64, scratch_operands = 0 : i64, tpu.core_type = #tpu.core_type<tc>, window_params = [{transform_indices = @transform_0, window_bounds = array<i64: 1280, 128>}, {pipeline_mode = #tpu.pipeline_mode<synchronous>, transform_indices = @transform_1, window_bounds = array<i64: 128, 128>}, {transform_indices = @transform_2, window_bounds = array<i64: 1280, 2>}, {transform_indices = @transform_3, window_bounds = array<i64: 1280, 128>}]} {
    %get3A = arith.constant 0 : index
    %get3A_0 = arith.constant 0 : index
    %get3A_1 = vector.load %arg1[%get3A, %get3A_0] : memref<1280x128xf32, #tpu.memory_space<vmem>>, vector<1280x128xf32>
    %get3A_2 = arith.constant 0 : index
    %get3A_3 = arith.constant 0 : index
    %get3A_4 = vector.load %arg2[%get3A_2, %get3A_3] : memref<128x128xf32, #tpu.memory_space<vmem>>, vector<128x128xf32>
    %dot_general3A = arith.constant dense<0.000000e+00> : vector<1280x128xf32>
    %dot_general3A_5 = tpu.matmul %get3A_1, %get3A_4, %dot_general3A {dimension_numbers = #tpu.dot_dimension_numbers<[1], [0], [0], [1], [0, 0, 1, 1], [], []>, transpose_lhs_hint = false} : vector<1280x128xf32>, vector<128x128xf32>, vector<1280x128xf32> -> vector<1280x128xf32>
    %get3A_6 = arith.constant 0 : index
    %get3A_7 = arith.constant 0 : index
    %get3A_8 = vector.load %arg3[%get3A_6, %get3A_7] : memref<1280x2xf32, #tpu.memory_space<vmem>>, vector<1280x1xf32>
    %add3A = arith.constant 1.000000e+00 : f32
    %add3A_9 = vector.broadcast %add3A : f32 to vector<1280x1xf32>
    %add3A_10 = arith.addf %add3A_9, %get3A_8 : vector<1280x1xf32>
    %get3A_11 = arith.constant 0 : index
    %get3A_12 = arith.constant 1 : index
    %get3A_13 = vector.load %arg3[%get3A_11, %get3A_12] : memref<1280x2xf32, #tpu.memory_space<vmem>>, vector<1280x1xf32>
    %add3A_14 = arith.addf %add3A_10, %get3A_13 : vector<1280x1xf32>
    %rsqrt3A = math.rsqrt %add3A_14 : vector<1280x1xf32>
    %mul3A = vector.broadcast %rsqrt3A : vector<1280x1xf32> to vector<1280x128xf32>
    %mul3A_15 = arith.mulf %dot_general3A_5, %mul3A : vector<1280x128xf32>
    %swap3A = arith.constant 0 : index
    %swap3A_16 = arith.constant 0 : index
    %swap3A_17 = vector.load %arg4[%swap3A, %swap3A_16] : memref<1280x128xf32, #tpu.memory_space<vmem>>, vector<1280x128xf32>
    tpu.vector_store %arg4[%swap3A, %swap3A_16], %mul3A_15 {strides = array<i32>} : memref<1280x128xf32, #tpu.memory_space<vmem>>, vector<1280x128xf32>,
    return
  }
  func.func @transform_0(%arg0: i32) -> (i32, i32) {
    %c0_i32 = arith.constant 0 : i32
    %c0_i32_0 = arith.constant 0 : i32
    return %arg0, %c0_i32 : i32, i32
  }
  func.func @transform_1(%arg0: i32) -> (i32, i32) {
    %c0_i32 = arith.constant 0 : i32
    %c0_i32_0 = arith.constant 0 : i32
    %c0_i32_1 = arith.constant 0 : i32
    return %c0_i32, %c0_i32_0 : i32, i32
  }
  func.func @transform_2(%arg0: i32) -> (i32, i32) {
    %c0_i32 = arith.constant 0 : i32
    %c0_i32_0 = arith.constant 0 : i32
    return %arg0, %c0_i32 : i32, i32
  }
  func.func @transform_3(%arg0: i32) -> (i32, i32) {
    %c0_i32 = arith.constant 0 : i32
    %c0_i32_0 = arith.constant 0 : i32
    return %arg0, %c0_i32 : i32, i32
  }
}

module attributes {stable_mosaic.version = 14 : i64} {
  func.func @_tc3_body(%arg0: i32, %arg1: memref<2x1280x128xf32, #tpu.memory_space<vmem>>, %arg2: memref<1280x128xf32, #tpu.memory_space<vmem>>, %arg3: memref<1280x2xf32, #tpu.memory_space<vmem>>, %arg4: memref<1x128xf32, #tpu.memory_space<vmem>>, %arg5: memref<1280x128xf32, #tpu.memory_space<vmem>>) attributes {dimension_semantics = [#tpu.dimension_semantics<arbitrary>], iteration_bounds = array<i64: 8>, scalar_prefetch = 0 : i64, scratch_operands = 0 : i64, tpu.core_type = #tpu.core_type<tc>, window_params = [{transform_indices = @transform_0, window_bounds = array<i64: 2, 1280, 128>}, {transform_indices = @transform_1, window_bounds = array<i64: 1280, 128>}, {transform_indices = @transform_2, window_bounds = array<i64: 1280, 2>}, {pipeline_mode = #tpu.pipeline_mode<synchronous>, transform_indices = @transform_3, window_bounds = array<i64: 1, 128>}, {transform_indices = @transform_4, window_bounds = array<i64: 1280, 128>}]} {
    %get3A = arith.constant 0 : index
    %get3A_0 = arith.constant 0 : index
    %get3A_1 = vector.load %arg3[%get3A, %get3A_0] : memref<1280x2xf32, #tpu.memory_space<vmem>>, vector<1280x1xf32>
    %add3A = arith.constant 1.000000e+00 : f32
    %add3A_2 = vector.broadcast %add3A : f32 to vector<1280x1xf32>
    %add3A_3 = arith.addf %add3A_2, %get3A_1 : vector<1280x1xf32>
    %get3A_4 = arith.constant 0 : index
    %get3A_5 = arith.constant 1 : index
    %get3A_6 = vector.load %arg3[%get3A_4, %get3A_5] : memref<1280x2xf32, #tpu.memory_space<vmem>>, vector<1280x1xf32>
    %add3A_7 = arith.addf %add3A_3, %get3A_6 : vector<1280x1xf32>
    %rsqrt3A = math.rsqrt %add3A_7 : vector<1280x1xf32>
    %get3A_8 = arith.constant 0 : index
    %get3A_9 = arith.constant 0 : index
    %get3A_10 = arith.constant 0 : index
    %get3A_11 = vector.load %arg1[%get3A_8, %get3A_9, %get3A_10] : memref<2x1280x128xf32, #tpu.memory_space<vmem>>, vector<1x1280x128xf32>
    %get3A_12 = vector.shape_cast %get3A_11 : vector<1x1280x128xf32> to vector<1280x128xf32>
    %get3A_13 = arith.constant 1 : index
    %get3A_14 = arith.constant 0 : index
    %get3A_15 = arith.constant 0 : index
    %get3A_16 = vector.load %arg1[%get3A_13, %get3A_14, %get3A_15] : memref<2x1280x128xf32, #tpu.memory_space<vmem>>, vector<1x1280x128xf32>
    %get3A_17 = vector.shape_cast %get3A_16 : vector<1x1280x128xf32> to vector<1280x128xf32>
    %add3A_18 = arith.addf %get3A_12, %get3A_17 : vector<1280x128xf32>
    %get3A_19 = arith.constant 0 : index
    %get3A_20 = arith.constant 0 : index
    %get3A_21 = vector.load %arg2[%get3A_19, %get3A_20] : memref<1280x128xf32, #tpu.memory_space<vmem>>, vector<1280x128xf32>
    %add3A_22 = arith.addf %add3A_18, %get3A_21 : vector<1280x128xf32>
    %mul3A = vector.broadcast %rsqrt3A : vector<1280x1xf32> to vector<1280x128xf32>
    %mul3A_23 = arith.mulf %add3A_22, %mul3A : vector<1280x128xf32>
    %get3A_24 = arith.constant 0 : index
    %get3A_25 = arith.constant 0 : index
    %get3A_26 = vector.load %arg4[%get3A_24, %get3A_25] : memref<1x128xf32, #tpu.memory_space<vmem>>, vector<1x128xf32>
    %add3A_27 = vector.broadcast %get3A_26 : vector<1x128xf32> to vector<1280x128xf32>
    %add3A_28 = arith.addf %mul3A_23, %add3A_27 : vector<1280x128xf32>
    %max3A = arith.constant 0.000000e+00 : f32
    %max3A_29 = vector.broadcast %max3A : f32 to vector<1280x128xf32>
    %max3A_30 = arith.maximumf %add3A_28, %max3A_29 : vector<1280x128xf32>
    %mul3A_31 = vector.broadcast %rsqrt3A : vector<1280x1xf32> to vector<1280x128xf32>
    %mul3A_32 = arith.mulf %max3A_30, %mul3A_31 : vector<1280x128xf32>
    %swap3A = arith.constant 0 : index
    %swap3A_33 = arith.constant 0 : index
    %swap3A_34 = vector.load %arg5[%swap3A, %swap3A_33] : memref<1280x128xf32, #tpu.memory_space<vmem>>, vector<1280x128xf32>
    tpu.vector_store %arg5[%swap3A, %swap3A_33], %mul3A_32 {strides = array<i32>} : memref<1280x128xf32, #tpu.memory_space<vmem>>, vector<1280x128xf32>,
    return
  }
  func.func @transform_0(%arg0: i32) -> (i32, i32, i32) {
    %c0_i32 = arith.constant 0 : i32
    %c0_i32_0 = arith.constant 0 : i32
    %c0_i32_1 = arith.constant 0 : i32
    return %c0_i32, %arg0, %c0_i32_0 : i32, i32, i32
  }
  func.func @transform_1(%arg0: i32) -> (i32, i32) {
    %c0_i32 = arith.constant 0 : i32
    %c0_i32_0 = arith.constant 0 : i32
    return %arg0, %c0_i32 : i32, i32
  }
  func.func @transform_2(%arg0: i32) -> (i32, i32) {
    %c0_i32 = arith.constant 0 : i32
    %c0_i32_0 = arith.constant 0 : i32
    return %arg0, %c0_i32 : i32, i32
  }
  func.func @transform_3(%arg0: i32) -> (i32, i32) {
    %c0_i32 = arith.constant 0 : i32
    %c0_i32_0 = arith.constant 0 : i32
    %c0_i32_1 = arith.constant 0 : i32
    return %c0_i32, %c0_i32_0 : i32, i32
  }
  func.func @transform_4(%arg0: i32) -> (i32, i32) {
    %c0_i32 = arith.constant 0 : i32
    %c0_i32_0 = arith.constant 0 : i32
    return %arg0, %c0_i32 : i32, i32
  }
}

module attributes {stable_mosaic.version = 14 : i64} {
  func.func @_tc2_body(%arg0: i32, %arg1: memref<2x1280x128xf32, #tpu.memory_space<vmem>>, %arg2: memref<1280x128xf32, #tpu.memory_space<vmem>>, %arg3: memref<1280x2xf32, #tpu.memory_space<vmem>>, %arg4: memref<1x128xf32, #tpu.memory_space<vmem>>, %arg5: memref<128x128xf32, #tpu.memory_space<vmem>>, %arg6: memref<1280x128xf32, #tpu.memory_space<vmem>>) attributes {dimension_semantics = [#tpu.dimension_semantics<arbitrary>], iteration_bounds = array<i64: 8>, scalar_prefetch = 0 : i64, scratch_operands = 0 : i64, tpu.core_type = #tpu.core_type<tc>, window_params = [{transform_indices = @transform_0, window_bounds = array<i64: 2, 1280, 128>}, {transform_indices = @transform_1, window_bounds = array<i64: 1280, 128>}, {transform_indices = @transform_2, window_bounds = array<i64: 1280, 2>}, {pipeline_mode = #tpu.pipeline_mode<synchronous>, transform_indices = @transform_3, window_bounds = array<i64: 1, 128>}, {pipeline_mode = #tpu.pipeline_mode<synchronous>, transform_indices = @transform_4, window_bounds = array<i64: 128, 128>}, {transform_indices = @transform_5, window_bounds = array<i64: 1280, 128>}]} {
    %get3A = arith.constant 0 : index
    %get3A_0 = arith.constant 0 : index
    %get3A_1 = vector.load %arg3[%get3A, %get3A_0] : memref<1280x2xf32, #tpu.memory_space<vmem>>, vector<1280x1xf32>
    %add3A = arith.constant 1.000000e+00 : f32
    %add3A_2 = vector.broadcast %add3A : f32 to vector<1280x1xf32>
    %add3A_3 = arith.addf %add3A_2, %get3A_1 : vector<1280x1xf32>
    %get3A_4 = arith.constant 0 : index
    %get3A_5 = arith.constant 1 : index
    %get3A_6 = vector.load %arg3[%get3A_4, %get3A_5] : memref<1280x2xf32, #tpu.memory_space<vmem>>, vector<1280x1xf32>
    %add3A_7 = arith.addf %add3A_3, %get3A_6 : vector<1280x1xf32>
    %rsqrt3A = math.rsqrt %add3A_7 : vector<1280x1xf32>
    %get3A_8 = arith.constant 0 : index
    %get3A_9 = arith.constant 0 : index
    %get3A_10 = arith.constant 0 : index
    %get3A_11 = vector.load %arg1[%get3A_8, %get3A_9, %get3A_10] : memref<2x1280x128xf32, #tpu.memory_space<vmem>>, vector<1x1280x128xf32>
    %get3A_12 = vector.shape_cast %get3A_11 : vector<1x1280x128xf32> to vector<1280x128xf32>
    %get3A_13 = arith.constant 1 : index
    %get3A_14 = arith.constant 0 : index
    %get3A_15 = arith.constant 0 : index
    %get3A_16 = vector.load %arg1[%get3A_13, %get3A_14, %get3A_15] : memref<2x1280x128xf32, #tpu.memory_space<vmem>>, vector<1x1280x128xf32>
    %get3A_17 = vector.shape_cast %get3A_16 : vector<1x1280x128xf32> to vector<1280x128xf32>
    %add3A_18 = arith.addf %get3A_12, %get3A_17 : vector<1280x128xf32>
    %get3A_19 = arith.constant 0 : index
    %get3A_20 = arith.constant 0 : index
    %get3A_21 = vector.load %arg2[%get3A_19, %get3A_20] : memref<1280x128xf32, #tpu.memory_space<vmem>>, vector<1280x128xf32>
    %add3A_22 = arith.addf %add3A_18, %get3A_21 : vector<1280x128xf32>
    %mul3A = vector.broadcast %rsqrt3A : vector<1280x1xf32> to vector<1280x128xf32>
    %mul3A_23 = arith.mulf %add3A_22, %mul3A : vector<1280x128xf32>
    %get3A_24 = arith.constant 0 : index
    %get3A_25 = arith.constant 0 : index
    %get3A_26 = vector.load %arg4[%get3A_24, %get3A_25] : memref<1x128xf32, #tpu.memory_space<vmem>>, vector<1x128xf32>
    %add3A_27 = vector.broadcast %get3A_26 : vector<1x128xf32> to vector<1280x128xf32>
    %add3A_28 = arith.addf %mul3A_23, %add3A_27 : vector<1280x128xf32>
    %max3A = arith.constant 0.000000e+00 : f32
    %max3A_29 = vector.broadcast %max3A : f32 to vector<1280x128xf32>
    %max3A_30 = arith.maximumf %add3A_28, %max3A_29 : vector<1280x128xf32>
    %get3A_31 = arith.constant 0 : index
    %get3A_32 = arith.constant 0 : index
    %get3A_33 = vector.load %arg5[%get3A_31, %get3A_32] : memref<128x128xf32, #tpu.memory_space<vmem>>, vector<128x128xf32>
    %dot_general3A = arith.constant dense<0.000000e+00> : vector<1280x128xf32>
    %dot_general3A_34 = tpu.matmul %max3A_30, %get3A_33, %dot_general3A {dimension_numbers = #tpu.dot_dimension_numbers<[1], [0], [0], [1], [0, 0, 1, 1], [], []>, transpose_lhs_hint = false} : vector<1280x128xf32>, vector<128x128xf32>, vector<1280x128xf32> -> vector<1280x128xf32>
    %mul3A_35 = vector.broadcast %rsqrt3A : vector<1280x1xf32> to vector<1280x128xf32>
    %mul3A_36 = arith.mulf %dot_general3A_34, %mul3A_35 : vector<1280x128xf32>
    %swap3A = arith.constant 0 : index
    %swap3A_37 = arith.constant 0 : index
    %swap3A_38 = vector.load %arg6[%swap3A, %swap3A_37] : memref<1280x128xf32, #tpu.memory_space<vmem>>, vector<1280x128xf32>
    tpu.vector_store %arg6[%swap3A, %swap3A_37], %mul3A_36 {strides = array<i32>} : memref<1280x128xf32, #tpu.memory_space<vmem>>, vector<1280x128xf32>,
    return
  }
  func.func @transform_0(%arg0: i32) -> (i32, i32, i32) {
    %c0_i32 = arith.constant 0 : i32
    %c0_i32_0 = arith.constant 0 : i32
    %c0_i32_1 = arith.constant 0 : i32
    return %c0_i32, %arg0, %c0_i32_0 : i32, i32, i32
  }
  func.func @transform_1(%arg0: i32) -> (i32, i32) {
    %c0_i32 = arith.constant 0 : i32
    %c0_i32_0 = arith.constant 0 : i32
    return %arg0, %c0_i32 : i32, i32
  }
  func.func @transform_2(%arg0: i32) -> (i32, i32) {
    %c0_i32 = arith.constant 0 : i32
    %c0_i32_0 = arith.constant 0 : i32
    return %arg0, %c0_i32 : i32, i32
  }
  func.func @transform_3(%arg0: i32) -> (i32, i32) {
    %c0_i32 = arith.constant 0 : i32
    %c0_i32_0 = arith.constant 0 : i32
    %c0_i32_1 = arith.constant 0 : i32
    return %c0_i32, %c0_i32_0 : i32, i32
  }
  func.func @transform_4(%arg0: i32) -> (i32, i32) {
    %c0_i32 = arith.constant 0 : i32
    %c0_i32_0 = arith.constant 0 : i32
    %c0_i32_1 = arith.constant 0 : i32
    return %c0_i32, %c0_i32_0 : i32, i32
  }
  func.func @transform_5(%arg0: i32) -> (i32, i32) {
    %c0_i32 = arith.constant 0 : i32
    %c0_i32_0 = arith.constant 0 : i32
    return %arg0, %c0_i32 : i32, i32
  }
}

module attributes {stable_mosaic.version = 14 : i64} {
  func.func @_tc4_body(%arg0: i32, %arg1: memref<2x1280x128xf32, #tpu.memory_space<vmem>>, %arg2: memref<1280x128xf32, #tpu.memory_space<vmem>>, %arg3: memref<1280x2xf32, #tpu.memory_space<vmem>>, %arg4: memref<128x128xf32, #tpu.memory_space<vmem>>, %arg5: memref<1x128xf32, #tpu.memory_space<vmem>>, %arg6: memref<1280x128xf32, #tpu.memory_space<vmem>>) attributes {dimension_semantics = [#tpu.dimension_semantics<arbitrary>], iteration_bounds = array<i64: 8>, scalar_prefetch = 0 : i64, scratch_operands = 0 : i64, tpu.core_type = #tpu.core_type<tc>, window_params = [{transform_indices = @transform_0, window_bounds = array<i64: 2, 1280, 128>}, {transform_indices = @transform_1, window_bounds = array<i64: 1280, 128>}, {transform_indices = @transform_2, window_bounds = array<i64: 1280, 2>}, {pipeline_mode = #tpu.pipeline_mode<synchronous>, transform_indices = @transform_3, window_bounds = array<i64: 128, 128>}, {pipeline_mode = #tpu.pipeline_mode<synchronous>, transform_indices = @transform_4, window_bounds = array<i64: 1, 128>}, {transform_indices = @transform_5, window_bounds = array<i64: 1280, 128>}]} {
    %get3A = arith.constant 0 : index
    %get3A_0 = arith.constant 0 : index
    %get3A_1 = arith.constant 0 : index
    %get3A_2 = vector.load %arg1[%get3A, %get3A_0, %get3A_1] : memref<2x1280x128xf32, #tpu.memory_space<vmem>>, vector<1x1280x128xf32>
    %get3A_3 = vector.shape_cast %get3A_2 : vector<1x1280x128xf32> to vector<1280x128xf32>
    %get3A_4 = arith.constant 1 : index
    %get3A_5 = arith.constant 0 : index
    %get3A_6 = arith.constant 0 : index
    %get3A_7 = vector.load %arg1[%get3A_4, %get3A_5, %get3A_6] : memref<2x1280x128xf32, #tpu.memory_space<vmem>>, vector<1x1280x128xf32>
    %get3A_8 = vector.shape_cast %get3A_7 : vector<1x1280x128xf32> to vector<1280x128xf32>
    %add3A = arith.addf %get3A_3, %get3A_8 : vector<1280x128xf32>
    %get3A_9 = arith.constant 0 : index
    %get3A_10 = arith.constant 0 : index
    %get3A_11 = vector.load %arg2[%get3A_9, %get3A_10] : memref<1280x128xf32, #tpu.memory_space<vmem>>, vector<1280x128xf32>
    %add3A_12 = arith.addf %add3A, %get3A_11 : vector<1280x128xf32>
    %get3A_13 = arith.constant 0 : index
    %get3A_14 = arith.constant 0 : index
    %get3A_15 = vector.load %arg3[%get3A_13, %get3A_14] : memref<1280x2xf32, #tpu.memory_space<vmem>>, vector<1280x1xf32>
    %add3A_16 = arith.constant 1.000000e+00 : f32
    %add3A_17 = vector.broadcast %add3A_16 : f32 to vector<1280x1xf32>
    %add3A_18 = arith.addf %add3A_17, %get3A_15 : vector<1280x1xf32>
    %get3A_19 = arith.constant 0 : index
    %get3A_20 = arith.constant 1 : index
    %get3A_21 = vector.load %arg3[%get3A_19, %get3A_20] : memref<1280x2xf32, #tpu.memory_space<vmem>>, vector<1280x1xf32>
    %add3A_22 = arith.addf %add3A_18, %get3A_21 : vector<1280x1xf32>
    %rsqrt3A = math.rsqrt %add3A_22 : vector<1280x1xf32>
    %mul3A = vector.broadcast %rsqrt3A : vector<1280x1xf32> to vector<1280x128xf32>
    %mul3A_23 = arith.mulf %add3A_12, %mul3A : vector<1280x128xf32>
    %get3A_24 = arith.constant 0 : index
    %get3A_25 = arith.constant 0 : index
    %get3A_26 = vector.load %arg4[%get3A_24, %get3A_25] : memref<128x128xf32, #tpu.memory_space<vmem>>, vector<128x128xf32>
    %dot_general3A = arith.constant dense<0.000000e+00> : vector<1280x128xf32>
    %dot_general3A_27 = tpu.matmul %mul3A_23, %get3A_26, %dot_general3A {dimension_numbers = #tpu.dot_dimension_numbers<[1], [0], [0], [1], [0, 0, 1, 1], [], []>, transpose_lhs_hint = false} : vector<1280x128xf32>, vector<128x128xf32>, vector<1280x128xf32> -> vector<1280x128xf32>
    %get3A_28 = arith.constant 0 : index
    %get3A_29 = arith.constant 0 : index
    %get3A_30 = vector.load %arg5[%get3A_28, %get3A_29] : memref<1x128xf32, #tpu.memory_space<vmem>>, vector<1x128xf32>
    %add3A_31 = vector.broadcast %get3A_30 : vector<1x128xf32> to vector<1280x128xf32>
    %add3A_32 = arith.addf %dot_general3A_27, %add3A_31 : vector<1280x128xf32>
    %swap3A = arith.constant 0 : index
    %swap3A_33 = arith.constant 0 : index
    %swap3A_34 = vector.load %arg6[%swap3A, %swap3A_33] : memref<1280x128xf32, #tpu.memory_space<vmem>>, vector<1280x128xf32>
    tpu.vector_store %arg6[%swap3A, %swap3A_33], %add3A_32 {strides = array<i32>} : memref<1280x128xf32, #tpu.memory_space<vmem>>, vector<1280x128xf32>,
    return
  }
  func.func @transform_0(%arg0: i32) -> (i32, i32, i32) {
    %c0_i32 = arith.constant 0 : i32
    %c0_i32_0 = arith.constant 0 : i32
    %c0_i32_1 = arith.constant 0 : i32
    return %c0_i32, %arg0, %c0_i32_0 : i32, i32, i32
  }
  func.func @transform_1(%arg0: i32) -> (i32, i32) {
    %c0_i32 = arith.constant 0 : i32
    %c0_i32_0 = arith.constant 0 : i32
    return %arg0, %c0_i32 : i32, i32
  }
  func.func @transform_2(%arg0: i32) -> (i32, i32) {
    %c0_i32 = arith.constant 0 : i32
    %c0_i32_0 = arith.constant 0 : i32
    return %arg0, %c0_i32 : i32, i32
  }
  func.func @transform_3(%arg0: i32) -> (i32, i32) {
    %c0_i32 = arith.constant 0 : i32
    %c0_i32_0 = arith.constant 0 : i32
    %c0_i32_1 = arith.constant 0 : i32
    return %c0_i32, %c0_i32_0 : i32, i32
  }
  func.func @transform_4(%arg0: i32) -> (i32, i32) {
    %c0_i32 = arith.constant 0 : i32
    %c0_i32_0 = arith.constant 0 : i32
    %c0_i32_1 = arith.constant 0 : i32
    return %c0_i32, %c0_i32_0 : i32, i32
  }
  func.func @transform_5(%arg0: i32) -> (i32, i32) {
    %c0_i32 = arith.constant 0 : i32
    %c0_i32_0 = arith.constant 0 : i32
    return %arg0, %c0_i32 : i32, i32
  }
}

</mosaic_0001>

<sc_bundles>
// kernel: kernel.10.cloned.1.call-start
scs
__scs_entry_jumppad:
0x0: {  	(pc) =	sbr.rel $0x88, $3  }
0x1: {  	(tag) =	ssettag $0x0;
	lr =	simm.s32 $0x1  }
0x2: {  	[smem:$0x3F99] =	sst lr;
	_ =	strace $0xD0000000  }
0x3: {  	_ = 	snop  }
0x4: {  	_ = 	snop  }
0x5: {  	_ = 	snop  }
0x6: {  	_ = 	snop  }
0x7: {  	_ = 	snop  }
__scs_overlays_trampoline_lowered:
0x8: {  	[smem:$0x3FA8] =	sst s0  }
0x9: {  	[smem:$0x3FA9] =	sst s1  }
0xa: {  	[smem:$0x3FAA] =	sst s2  }
0xb: {  	[smem:$0x3FAB] =	sst s3  }
0xc: {  	[smem:$0x3FAC] =	sst s4  }
0xd: {  	[smem:$0x3FAD] =	sst s5  }
0xe: {  	[smem:$0x3FAE] =	sst s6  }
0xf: {  	[smem:$0x3FAF] =	sst s7  }
0x10: {  	[smem:$0x3FB0] =	sst s8  }
0x11: {  	[smem:$0x3FB1] =	sst s9;
	s0 =	simm.s32 @!p0 $0x0  }
0x12: {  	s1 =	sld [smem:$0x3F97];
	s0 =	simm.s32 @p0 $0x1  }
0x13: {  	[smem:$0x3FB2] =	sst s0;
	s0 =	simm.s32 @!p1 $0x0  }
0x14: {  	s2 =	sld [smem:$0x3F96];
	s0 =	simm.s32 @p1 $0x1  }
0x15: {  	[smem:$0x3FB3] =	sst s0;
	s0 =	simm.s32 @!p2 $0x0  }
0x16: {  	s3 =	sld [smem:$0x3FDB];
	s0 =	simm.s32 @p2 $0x1  }
0x17: {  	s4 =	simm.s32 $0x1BF5;
	[smem:$0x3FB5] =	sst s0  }
0x18: {  	s0 =	sld [smem:$0x3F98];
	_ =	swait.ge [sflag:s4], $0x0  }
0x19: {  	s7 =	sld [smem:$0x3F99]  }
0x1a: {  	s8 =	sadd.s32 $0xFFFFE003, lr  }
0x1b: {  	s9 =	sadd.s32 $0xFFFFFEF7, lr;
	s5 =	simm.s32 $0xFFFFFFFF;
	p2 =	slt.u32 s8, $0xFFFFF086  }
0x1c: {  	p1 =	slt.u32 s9, $0xF7A;
	s5 =	simm.s32 @!p2 $0x0  }
0x1d: {  	s5 =	simm.s32 @p1 $0x1;
	p0 =	seq.s32 s7, s2  }
0x1e: {  	s7 =	smul.u32 @!p0 $0xF7A, s2;
	p2 =	seq.s32 @!p0 s5, $0x0  }
0x1f: {  	s9 =	smul.u32 $0xF7A, s1;
	s8 =	simm.s32 @!p0 $0x1BF5;
	p2 =	por !p2, p0  }
0x20: {  	[sflag:s8] =	ssyncset.s32 @!p0 $0xFFFFF086;
	s6 =	sadd.s32 @!p0 s3, s7;
	s7 =	simm.s32 @!p0 $0x108  }
0x21: {  	s3 =	sadd.s32 s3, s9;
	s6 =	sadd.s32 @!p0 $0x88, s6;
	s7 =	simm.s32 @p2 $0x1082  }
0x22: {  	[simem:s7], [sflag:s8] =	dma.local @!p0 [hbm:s6], $0xF7A  }
0x23: {  	s9 =	sor.u32 $0xD0000000, s2;
	s6 =	simm.s32 $0x108;
	_ =	swait.ge @!p0 [sflag:s8], $0x0  }
0x24: {  	s3 =	sadd.s32 $0x88, s3;
	s6 =	simm.s32 @!p1 $0x1082;
	[sflag:s4] =	ssyncset.s32 $0xFFFFF086  }
0x25: {  	[simem:s6], [sflag:s4] =	dma.local [hbm:s3], $0xF7A  }
0x26: {  	[smem:$0x3F99] =	sst s1;
	(tag) =	ssettag s2;
	_ =	strace s9  }
0x27: {  	s1 =	sld [smem:$0x3FA9]  }
0x28: {  	s2 =	sld [smem:$0x3FAA]  }
0x29: {  	s4 =	sld [smem:$0x3FAC]  }
0x2a: {  	p0 =	seq.s32 s5, $0x0;
	s5 =	sld [smem:$0x3FAD]  }
0x2b: {  	s6 =	sld [smem:$0x3FAE]  }
0x2c: {  	s7 =	sld [smem:$0x3FAF]  }
0x2d: {  	s3 =	simm.s32 $0x108;
	s8 =	sld [smem:$0x3FB0]  }
0x2e: {  	s3 =	simm.s32 @!p0 $0x1082;
	s9 =	sld [smem:$0x3FB1]  }
0x2f: {  	lr =	sadd.s32 s0, s3;
	s0 =	sld [smem:$0x3FA8]  }
0x30: {  	s3 =	sld [smem:$0x3FAB]  }
0x31: {  	[smem:$0x3FB4] =	sst s10  }
0x32: {  	s10 =	sld [smem:$0x3FB2];
	_ =	sdelay $0x3  }
0x33: {  	p0 =	seq.s32 s10, $0x1;
	s10 =	sld [smem:$0x3FB4];
	_ =	sdelay $0x3  }
0x34: {  	[smem:$0x3FB4] =	sst s10  }
0x35: {  	s10 =	sld [smem:$0x3FB3];
	_ =	sdelay $0x3  }
0x36: {  	p1 =	seq.s32 s10, $0x1;
	s10 =	sld [smem:$0x3FB4];
	_ =	sdelay $0x3  }
0x37: {  	[smem:$0x3FB4] =	sst s10  }
0x38: {  	s10 =	sld [smem:$0x3FB5]  }
0x39: {  	_ = 	snop;
	(pc) =	sbr.ind lr, $3  }
0x3a: {  	_ = 	snop  }
0x3b: {  	_ = 	snop  }
0x3c: {  	p2 =	seq.s32 s10, $0x1;
	s10 =	sld [smem:$0x3FB4]  }
0x3d: {  	_ =	shalt  }
0x3e: {  	_ =	shalt  }
0x3f: {  	_ =	shalt  }
0x40: {  	_ =	shalt  }
0x41: {  	_ =	shalt  }
0x42: {  	_ =	shalt  }
0x43: {  	_ =	shalt  }
0x44: {  	_ =	shalt  }
0x45: {  	_ =	shalt  }
0x46: {  	_ =	shalt  }
0x47: {  	_ =	shalt  }
0x48: {  	_ =	shalt  }
0x49: {  	_ =	shalt  }
0x4a: {  	_ =	shalt  }
0x4b: {  	_ =	shalt  }
0x4c: {  	_ =	shalt  }
0x4d: {  	_ =	shalt  }
0x4e: {  	_ =	shalt  }
0x4f: {  	_ =	shalt  }
0x50: {  	_ =	shalt  }
0x51: {  	_ =	shalt  }
0x52: {  	_ =	shalt  }
0x53: {  	_ =	shalt  }
0x54: {  	_ =	shalt  }
0x55: {  	_ =	shalt  }
0x56: {  	_ =	shalt  }
0x57: {  	_ =	shalt  }
0x58: {  	_ =	shalt  }
0x59: {  	_ =	shalt  }
0x5a: {  	_ =	shalt  }
0x5b: {  	_ =	shalt  }
0x5c: {  	_ =	shalt  }
0x5d: {  	_ =	shalt  }
0x5e: {  	_ =	shalt  }
0x5f: {  	_ =	shalt  }
0x60: {  	_ =	shalt  }
0x61: {  	_ =	shalt  }
0x62: {  	_ =	shalt  }
0x63: {  	_ =	shalt  }
0x64: {  	_ =	shalt  }
0x65: {  	_ =	shalt  }
0x66: {  	_ =	shalt  }
0x67: {  	_ =	shalt  }
0x68: {  	_ =	shalt  }
0x69: {  	_ =	shalt  }
0x6a: {  	_ =	shalt  }
0x6b: {  	_ =	shalt  }
0x6c: {  	_ =	shalt  }
0x6d: {  	_ =	shalt  }
0x6e: {  	_ =	shalt  }
0x6f: {  	_ =	shalt  }
0x70: {  	_ =	shalt  }
0x71: {  	_ =	shalt  }
0x72: {  	_ =	shalt  }
0x73: {  	_ =	shalt  }
0x74: {  	_ =	shalt  }
0x75: {  	_ =	shalt  }
0x76: {  	_ =	shalt  }
0x77: {  	_ =	shalt  }
0x78: {  	_ =	shalt  }
0x79: {  	_ =	shalt  }
0x7a: {  	_ =	shalt  }
0x7b: {  	_ =	shalt  }
0x7c: {  	_ =	shalt  }
0x7d: {  	_ =	shalt  }
0x7e: {  	_ =	shalt  }
0x7f: {  	_ =	shalt  }
0x80: {  	_ =	shalt  }
0x81: {  	_ =	shalt  }
0x82: {  	_ =	shalt  }
0x83: {  	_ =	shalt  }
0x84: {  	_ =	shalt  }
0x85: {  	_ =	shalt  }
0x86: {  	_ =	shalt  }
0x87: {  	_ =	shalt  }
.Lfunc_end0:
.L_simem_size_0:
called_computation_lowered:
.L_overlay_start_0:
0x88: {  	s2 =	sld [smem:$0x3FD9]  }
0x89: {  	s3 =	sld [smem:$0x3FFE];
	_ =	sdelay $0x1  }
0x8a: {  	s1 =	srdreg.scid  }
0x8b: {  	s0 =	sand.u32 $0x1, s1  }
0x8c: {  	s17 =	sshll.u32 s0, $0xA;
	s2 =	sadd.s32 s3, s2  }
0x8d: {  	s2 =	sadd.s32 s2, s17  }
0x8e: {  	[smem:$0x3FC0] =	sst s2  }
0x8f: {  	_ = 	snop  }
0x90: {  	s2 =	sld [smem:$0x3FD0];
	(tm) =	ssettm $0x1  }
0x91: {  	s18 =	sld [smem:$0x3FFB];
	_ =	sdelay $0x3  }
0x92: {  	_ =	strace s18  }
0x93: {  	s3 =	sld [smem:$0x3FFC];
	_ =	sdelay $0x3  }
0x94: {  	_ =	strace s3  }
0x95: {  	s3 =	sld [smem:$0x3FFD];
	_ =	sdelay $0x3  }
0x96: {  	_ =	strace s3  }
0x97: {  	_ =	strace $0x8FFFFFFF  }
0x98: {  	s19 =	sld [smem:$0x3FDB];
	_ =	sdelay $0x1  }
0x99: {  	s4 =	simm.s32 $_scs_section_size  }
0x9a: {  	s5 =	simm.s32 $_size__tile_overlayer_lowered;
	s6 =	simm.s32 $_tile_overlayer_lowered  }
0x9b: {  	s22 =	simm.s32 $0x1BFF;
	s21 =	sshll.u32 s6, $0x1;
	s3 =	sadd.s32 s4, s19  }
0x9c: {  	s7 =	simm.s32 $0x0;
	s20 =	sshll.u32 s5, $0x1;
	s5 =	sadd.s32 s21, s3  }
0x9d: {  	[timem:s7], [sflag:s22] =	dma.local [hbm:s5], s20  }
0x9e: {  	_ =	swait.ge [sflag:s22], s20  }
0x9f: {  	s4 =	ssub.s32 $0x0, s20;
	[sflag:s22] =	ssyncset.done $0x0  }
0xa0: {  	[sflag:s22] =	ssyncadd.s32 s4;
	_ =	sdelay $0x1  }
0xa1: {  	s23 =	simm.s32 $0x1B8B  }
0xa2: {  	_ =	swait.ge [sflag:s23], $0x1  }
0xa3: {  	[sflag:s23] =	ssyncset.done $0x0  }
0xa4: {  	s25 =	simm.s32 $0x1B8E;
	s24 =	sld [smem:$0x3FFE];
	[sflag:s23] =	ssyncadd.s32 $0xFFFFFFFF  }
0xa5: {  	s26 =	simm.s32 $execute0_lowered;
	[smem:$0x3FD2] =	sst s25  }
0xa6: {  	s5 =	sshll.u32 s26, $0x1;
	_ =	strace $0x80000046;
	[dreg:$0x1] =	wrdreg $0xFFFFFFFF  }
0xa7: {  	s28 =	simm.s32 $_size_execute0_lowered;
	s3 =	sadd.s32 s3, s5;
	[dreg:$0x0] =	wrdreg $0x0  }
0xa8: {  	s5 =	sshll.u32 s28, $0x1;
	[dreg:$0x2] =	wrdreg s3  }
0xa9: {  	[dreg:$0x3] =	wrdreg s5  }
0xaa: {  	[dreg:$0x4] =	wrdreg $0xC0  }
0xab: {  	_ =	task [dreg:s7], $0x5FFFF  }
0xac: {  	[dreg:$0x1] =	wrdreg $0xFFFFFFFF  }
0xad: {  	[dreg:$0x0] =	wrdreg $0x60  }
0xae: {  	[dreg:$0x2] =	wrdreg s2  }
0xaf: {  	[dreg:$0x3] =	wrdreg s24  }
0xb0: {  	[dreg:$0x4] =	wrdreg $0x28800  }
0xb1: {  	[dreg:$0x5] =	wrdreg $0x9  }
0xb2: {  	_ =	task.clear_ibuf [dreg:s7], $0x6FFFF;
	_ =	strace $0x90000046  }
0xb3: {  	s29 =	simm.s32 $0x9;
	_ =	strace $0x80000048  }
0xb4: {  	_ =	swait.ge [sflag:s29], $0x1  }
0xb5: {  	[sflag:s29] =	ssyncadd.s32 $0xFFFFFFFF  }
0xb6: {  	_ =	strace $0x90000048  }
0xb7: {  	_ =	sfence  }
0xb8: {  	s30 =	sld [smem:$0x0];
	_ =	sdelay $0x2  }
0xb9: {  	s31 =	sshll.u32 s1, $0xD;
	s1 =	sshrl.u32 s1, $0x2  }
0xba: {  	s3 =	sand.u32 $0x4000, s31;
	s1 =	sadd.s32 s1, s30  }
0xbb: {  	s0 =	sor.u32 s3, s0;
	s1 =	sshll.u32 s1, $0x11  }
0xbc: {  	s0 =	sor.u32 s1, s0  }
0xbd: {  	s0 =	sadd.s32 $0x8F2B, s0  }
0xbe: {  	[sflag:s0] =	ssyncadd.remote.s32 $0x1  }
0xbf: {  	_ =	sfence.sel $0xFFFF  }
0xc0: {  	[dreg:$0x0] =	wrdreg $0xFFFFFFFF;
	(pc) =	sbr.abs _section_cstart, $3  }
0xc1: {  	[dreg:$0x1] =	wrdreg $0xFFFFFFFF  }
0xc2: {  	_ =	task.clear_ibuf [dreg:s7], $0x2FFFF;
	_ =	strace $0x9FFFFFFF  }
0xc3: {  	(tm) =	ssettm $0x7FFFFFFF  }
tec
execute0_lowered:
.L_overlay_start_1:
0x0: {  	(tag) =	ssettag $0x1  }
0x1: {  	s7 =	rddreg [dreg:$0x0]  }
0x2: {  	s5 =	rddreg [dreg:$0x1]  }
0x3: {  	s2 =	rddreg [dreg:$0x2];
	s0 =	stileid.u32  }
0x4: {  	s4 =	srdreg.scid;
	s1 =	rddreg [dreg:$0x3]  }
0x5: {  	s3 =	simm.s32 $0x0;
	s13 =	simm.s32 $0x80;
	s14 =	simm.s32 $0x0  }
0x6: {  	s6 =	smul.u32 $0x280, s0;
	s8 =	sand.u32 $0x1, s4;
	[smem:$0x7FF] =	sst s3  }
0x7: {  	s4 =	sadd.s32 $0x2E00, s5;
	s31 =	sshll.u32 s0, $0x6;
	s9 =	smul.u32 $0x2800, s8  }
0x8: {  	_ =	strace $0x80000047;
	s11 =	ssub.s32 $0x2, s8;
	s8 =	sshll.u32 s8, $0x4  }
0x9: {  	s29 =	sshrl.u32 s6, $0x3;
	s12 =	sshrl.u32 s11, $0x1;
	s8 =	sor.u32 s0, s8  }
0xa: {  	s30 =	sadd.s32 s6, s2;
	s10 =	sadd.s32 s29, s5;
	s9 =	sadd.s32 s6, s9  }
0xb: {  	s11 =	ssub.s32 s11, s12;
	s8 =	smul.u32 $0x500, s8;
	s9 =	sshrl.u32 s9, $0x3  }
0xc: {  	s6 =	sor.u32 $0x1C01, s31;
	s12 =	simm.s32 $0x2800;
	s9 =	sadd.s32 s9, s5  }
0xd: {  	s5 =	sadd.s32 $0x2800, s10;
	s7 =	sadd.s32 s7, s8;
	s10 =	sshrl.u32 s30, $0x3  }
0xe: {  	s8 =	sadd.s32 $0x3000, s9;
	s9 =	smax.u32 s11, $0x1;
	s11 =	simm.s32 $0x1  }
.LBB2_1:
0xf: {  	[spmem:s10], [sflag:s6] =	dma.local [hbm:s5], $0x50  }
0x10: {  	_ =	swait.ge [sflag:s11], $0x50  }
0x11: {  	[sflag:s11] =	ssyncset.done $0x0  }
0x12: {  	[sflag:s11] =	ssyncadd.s32 $0xFFFFFFB0  }
0x13: {  	[tilespmem:s12], [sflag:$0x1] =	stream.linear.gather [hbm4b:s4+s3], $0x80, $0x38;
	[tilespmem:$0x2B00] =	vst v63  }
0x14: {  	_ =	swait.ge [sflag:s11], $0x80  }
0x15: {  	[sflag:s11] =	ssyncset.done $0x0  }
0x16: {  	[sflag:s11] =	ssyncadd.s32 $0xFFFFFF80  }
0x17: {  	[tilespmem:s3], [sflag:$0x1] =	stream.linear.gather [hbm4b:s7+s3], $0x2780, $0x38;
	[tilespmem:$0x2B00] =	vst v63  }
0x18: {  	_ =	swait.ge [sflag:s11], $0x2780  }
0x19: {  	[sflag:s11] =	ssyncset.done $0x0  }
0x1a: {  	[sflag:s11] =	ssyncadd.s32 $0xFFFFD880  }
0x1b: {  	s15 =	simm.s32 $0x0;
	[bflag:$0x0] =	sbarrier.arrive $0xFFFF  }
0x1c: {  	[spmem:s2] =	stream.indirect.scatter.add.f32 [tilespmem:s12], [sflag:$0x1], $0x1, s15, s13, $0xb8;
	[tilespmem:$0x2B00] =	vst v63  }
0x1d: {  	_ =	swait.ge [sflag:s11], $0x80  }
0x1e: {  	s15 =	simm.s32 $0x200;
	[sflag:s11] =	ssyncset.done $0x0  }
.LBB2_2:
0x1f: {  	s16 =	sshra.s32 s15, $0x2;
	[sflag:s11] =	ssyncadd.s32 $0xFFFFFF80;
	p0 =	sne.s32 s15, $0x9C00  }
0x20: {  	[spmem:s2] =	stream.indirect.scatter.add.f32 [tilespmem:s12], [sflag:$0x1], $0x1, s16, s13, $0xb8;
	[tilespmem:$0x2B00] =	vst v63  }
.Ltmp0:
0x21: {  	_ = 	snop;
	(pc) =	sbr.rel @p0 .LBB2_2-.Ltmp0, $4  }
0x22: {  	_ = 	snop  }
0x23: {  	s15 =	sadd.s32 $0x200, s15  }
0x24: {  	_ =	swait.ge [sflag:s11], $0x80  }
0x25: {  	[sflag:s11] =	ssyncset.done $0x0  }
0x26: {  	s14 =	sadd.s32 $0x1, s14  }
0x27: {  	[sflag:s11] =	ssyncadd.s32 $0xFFFFFF80;
	p0 =	sne.s32 s14, s9  }
.Ltmp1:
0x28: {  	[bflag:$0x0] =	sbarrier.arrive $0xFFFF;
	(pc) =	sbr.rel @p0 .LBB2_1-.Ltmp1, $4  }
0x29: {  	[hbm:s8], [sflag:s6] =	dma.local [spmem:s10], $0x50  }
0x2a: {  	_ =	swait.ge [sflag:s11], $0x50  }
0x2b: {  	[sflag:s11] =	ssyncset.done $0x0  }
0x2c: {  	[sflag:s11] =	ssyncadd.s32 $0xFFFFFFB0  }
0x2d: {  	_ =	sfence.sel $0x180000  }
0x2e: {  	[bflag:$0x0] =	sbarrier.arrive $0xFFFF  }
0x2f: {  	p0 =	sne.s32 s0, $0x0;
	_ =	strace $0x90000047  }
0x30: {  	s0 =	sadd.s32 @!p0 $0x100000, s1;
	[bflag:$0x2] =	sbarrier.arrive $0xFFFF  }
0x31: {  	[sflag:s0] =	ssyncadd.tile.s32 @!p0 $0x1;
	_ =	shalt  }
.Lfunc_end2:
_tile_overlayer_lowered:
.L_overlay_start_2:
0x32: {  	(tag) =	ssettag $0x2  }
0x33: {  	s0 =	rddreg [dreg:$0x0];
	s2 =	stileid.u32  }
0x34: {  	s1 =	rddreg [dreg:$0x1];
	p0 =	sne.s32 s2, $0x0  }
0x35: {  	s3 =	rddreg [dreg:$0x2];
	[bflag:$0x3] =	sbarrier.arrive $0xFFFF;
	s2 =	simm.s32 @!p0 $0x1C01  }
0x36: {  	[timem:s3], [sflag:s2] =	dma.local @!p0 [hbm:s0], s1  }
0x37: {  	s0 =	simm.s32 @!p0 $0x1  }
0x38: {  	_ =	swait.ge @!p0 [sflag:s0], s1  }
0x39: {  	s1 =	ssub.s32 @!p0 $0x0, s1;
	[sflag:s0] =	ssyncset.done @!p0 $0x0  }
0x3a: {  	[sflag:s0] =	ssyncadd.s32 @!p0 s1  }
0x3b: {  	[bflag:$0x3] =	sbarrier.arrive $0xFFFF  }
0x3c: {  	_ =	shalt  }

// kernel: kernel.13.cloned.1.call-start
scs
__scs_entry_jumppad:
0x0: {  	(pc) =	sbr.rel $0x88, $3  }
0x1: {  	(tag) =	ssettag $0x0;
	lr =	simm.s32 $0x1  }
0x2: {  	[smem:$0x3F99] =	sst lr;
	_ =	strace $0xD0000000  }
0x3: {  	_ = 	snop  }
0x4: {  	_ = 	snop  }
0x5: {  	_ = 	snop  }
0x6: {  	_ = 	snop  }
0x7: {  	_ = 	snop  }
__scs_overlays_trampoline_lowered:
0x8: {  	[smem:$0x3FA8] =	sst s0  }
0x9: {  	[smem:$0x3FA9] =	sst s1  }
0xa: {  	[smem:$0x3FAA] =	sst s2  }
0xb: {  	[smem:$0x3FAB] =	sst s3  }
0xc: {  	[smem:$0x3FAC] =	sst s4  }
0xd: {  	[smem:$0x3FAD] =	sst s5  }
0xe: {  	[smem:$0x3FAE] =	sst s6  }
0xf: {  	[smem:$0x3FAF] =	sst s7  }
0x10: {  	[smem:$0x3FB0] =	sst s8  }
0x11: {  	[smem:$0x3FB1] =	sst s9;
	s0 =	simm.s32 @!p0 $0x0  }
0x12: {  	s1 =	sld [smem:$0x3F97];
	s0 =	simm.s32 @p0 $0x1  }
0x13: {  	[smem:$0x3FB2] =	sst s0;
	s0 =	simm.s32 @!p1 $0x0  }
0x14: {  	s2 =	sld [smem:$0x3F96];
	s0 =	simm.s32 @p1 $0x1  }
0x15: {  	[smem:$0x3FB3] =	sst s0;
	s0 =	simm.s32 @!p2 $0x0  }
0x16: {  	s3 =	sld [smem:$0x3FDB];
	s0 =	simm.s32 @p2 $0x1  }
0x17: {  	s4 =	simm.s32 $0x1BF5;
	[smem:$0x3FB5] =	sst s0  }
0x18: {  	s0 =	sld [smem:$0x3F98];
	_ =	swait.ge [sflag:s4], $0x0  }
0x19: {  	s7 =	sld [smem:$0x3F99]  }
0x1a: {  	s8 =	sadd.s32 $0xFFFFE003, lr  }
0x1b: {  	s9 =	sadd.s32 $0xFFFFFEF7, lr;
	s5 =	simm.s32 $0xFFFFFFFF;
	p2 =	slt.u32 s8, $0xFFFFF086  }
0x1c: {  	p1 =	slt.u32 s9, $0xF7A;
	s5 =	simm.s32 @!p2 $0x0  }
0x1d: {  	s5 =	simm.s32 @p1 $0x1;
	p0 =	seq.s32 s7, s2  }
0x1e: {  	s7 =	smul.u32 @!p0 $0xF7A, s2;
	p2 =	seq.s32 @!p0 s5, $0x0  }
0x1f: {  	s9 =	smul.u32 $0xF7A, s1;
	s8 =	simm.s32 @!p0 $0x1BF5;
	p2 =	por !p2, p0  }
0x20: {  	[sflag:s8] =	ssyncset.s32 @!p0 $0xFFFFF086;
	s6 =	sadd.s32 @!p0 s3, s7;
	s7 =	simm.s32 @!p0 $0x108  }
0x21: {  	s3 =	sadd.s32 s3, s9;
	s6 =	sadd.s32 @!p0 $0x88, s6;
	s7 =	simm.s32 @p2 $0x1082  }
0x22: {  	[simem:s7], [sflag:s8] =	dma.local @!p0 [hbm:s6], $0xF7A  }
0x23: {  	s9 =	sor.u32 $0xD0000000, s2;
	s6 =	simm.s32 $0x108;
	_ =	swait.ge @!p0 [sflag:s8], $0x0  }
0x24: {  	s3 =	sadd.s32 $0x88, s3;
	s6 =	simm.s32 @!p1 $0x1082;
	[sflag:s4] =	ssyncset.s32 $0xFFFFF086  }
0x25: {  	[simem:s6], [sflag:s4] =	dma.local [hbm:s3], $0xF7A  }
0x26: {  	[smem:$0x3F99] =	sst s1;
	(tag) =	ssettag s2;
	_ =	strace s9  }
0x27: {  	s1 =	sld [smem:$0x3FA9]  }
0x28: {  	s2 =	sld [smem:$0x3FAA]  }
0x29: {  	s4 =	sld [smem:$0x3FAC]  }
0x2a: {  	p0 =	seq.s32 s5, $0x0;
	s5 =	sld [smem:$0x3FAD]  }
0x2b: {  	s6 =	sld [smem:$0x3FAE]  }
0x2c: {  	s7 =	sld [smem:$0x3FAF]  }
0x2d: {  	s3 =	simm.s32 $0x108;
	s8 =	sld [smem:$0x3FB0]  }
0x2e: {  	s3 =	simm.s32 @!p0 $0x1082;
	s9 =	sld [smem:$0x3FB1]  }
0x2f: {  	lr =	sadd.s32 s0, s3;
	s0 =	sld [smem:$0x3FA8]  }
0x30: {  	s3 =	sld [smem:$0x3FAB]  }
0x31: {  	[smem:$0x3FB4] =	sst s10  }
0x32: {  	s10 =	sld [smem:$0x3FB2];
	_ =	sdelay $0x3  }
0x33: {  	p0 =	seq.s32 s10, $0x1;
	s10 =	sld [smem:$0x3FB4];
	_ =	sdelay $0x3  }
0x34: {  	[smem:$0x3FB4] =	sst s10  }
0x35: {  	s10 =	sld [smem:$0x3FB3];
	_ =	sdelay $0x3  }
0x36: {  	p1 =	seq.s32 s10, $0x1;
	s10 =	sld [smem:$0x3FB4];
	_ =	sdelay $0x3  }
0x37: {  	[smem:$0x3FB4] =	sst s10  }
0x38: {  	s10 =	sld [smem:$0x3FB5]  }
0x39: {  	_ = 	snop;
	(pc) =	sbr.ind lr, $3  }
0x3a: {  	_ = 	snop  }
0x3b: {  	_ = 	snop  }
0x3c: {  	p2 =	seq.s32 s10, $0x1;
	s10 =	sld [smem:$0x3FB4]  }
0x3d: {  	_ =	shalt  }
0x3e: {  	_ =	shalt  }
0x3f: {  	_ =	shalt  }
0x40: {  	_ =	shalt  }
0x41: {  	_ =	shalt  }
0x42: {  	_ =	shalt  }
0x43: {  	_ =	shalt  }
0x44: {  	_ =	shalt  }
0x45: {  	_ =	shalt  }
0x46: {  	_ =	shalt  }
0x47: {  	_ =	shalt  }
0x48: {  	_ =	shalt  }
0x49: {  	_ =	shalt  }
0x4a: {  	_ =	shalt  }
0x4b: {  	_ =	shalt  }
0x4c: {  	_ =	shalt  }
0x4d: {  	_ =	shalt  }
0x4e: {  	_ =	shalt  }
0x4f: {  	_ =	shalt  }
0x50: {  	_ =	shalt  }
0x51: {  	_ =	shalt  }
0x52: {  	_ =	shalt  }
0x53: {  	_ =	shalt  }
0x54: {  	_ =	shalt  }
0x55: {  	_ =	shalt  }
0x56: {  	_ =	shalt  }
0x57: {  	_ =	shalt  }
0x58: {  	_ =	shalt  }
0x59: {  	_ =	shalt  }
0x5a: {  	_ =	shalt  }
0x5b: {  	_ =	shalt  }
0x5c: {  	_ =	shalt  }
0x5d: {  	_ =	shalt  }
0x5e: {  	_ =	shalt  }
0x5f: {  	_ =	shalt  }
0x60: {  	_ =	shalt  }
0x61: {  	_ =	shalt  }
0x62: {  	_ =	shalt  }
0x63: {  	_ =	shalt  }
0x64: {  	_ =	shalt  }
0x65: {  	_ =	shalt  }
0x66: {  	_ =	shalt  }
0x67: {  	_ =	shalt  }
0x68: {  	_ =	shalt  }
0x69: {  	_ =	shalt  }
0x6a: {  	_ =	shalt  }
0x6b: {  	_ =	shalt  }
0x6c: {  	_ =	shalt  }
0x6d: {  	_ =	shalt  }
0x6e: {  	_ =	shalt  }
0x6f: {  	_ =	shalt  }
0x70: {  	_ =	shalt  }
0x71: {  	_ =	shalt  }
0x72: {  	_ =	shalt  }
0x73: {  	_ =	shalt  }
0x74: {  	_ =	shalt  }
0x75: {  	_ =	shalt  }
0x76: {  	_ =	shalt  }
0x77: {  	_ =	shalt  }
0x78: {  	_ =	shalt  }
0x79: {  	_ =	shalt  }
0x7a: {  	_ =	shalt  }
0x7b: {  	_ =	shalt  }
0x7c: {  	_ =	shalt  }
0x7d: {  	_ =	shalt  }
0x7e: {  	_ =	shalt  }
0x7f: {  	_ =	shalt  }
0x80: {  	_ =	shalt  }
0x81: {  	_ =	shalt  }
0x82: {  	_ =	shalt  }
0x83: {  	_ =	shalt  }
0x84: {  	_ =	shalt  }
0x85: {  	_ =	shalt  }
0x86: {  	_ =	shalt  }
0x87: {  	_ =	shalt  }
.Lfunc_end0:
.L_simem_size_0:
called_computation.1_lowered:
.L_overlay_start_0:
0x88: {  	s2 =	sld [smem:$0x3FD9]  }
0x89: {  	s3 =	sld [smem:$0x3FFE];
	_ =	sdelay $0x1  }
0x8a: {  	s1 =	srdreg.scid  }
0x8b: {  	s0 =	sand.u32 $0x1, s1  }
0x8c: {  	s17 =	sshll.u32 s0, $0xA;
	s2 =	sadd.s32 s3, s2  }
0x8d: {  	s2 =	sadd.s32 s2, s17  }
0x8e: {  	[smem:$0x3FC0] =	sst s2  }
0x8f: {  	_ = 	snop  }
0x90: {  	s2 =	sld [smem:$0x3FD0];
	(tm) =	ssettm $0x1  }
0x91: {  	s18 =	sld [smem:$0x3FFB];
	_ =	sdelay $0x3  }
0x92: {  	_ =	strace s18  }
0x93: {  	s3 =	sld [smem:$0x3FFC];
	_ =	sdelay $0x3  }
0x94: {  	_ =	strace s3  }
0x95: {  	s3 =	sld [smem:$0x3FFD];
	_ =	sdelay $0x3  }
0x96: {  	_ =	strace s3  }
0x97: {  	_ =	strace $0x8FFFFFFF  }
0x98: {  	s19 =	sld [smem:$0x3FDB];
	_ =	sdelay $0x1  }
0x99: {  	s4 =	simm.s32 $_scs_section_size  }
0x9a: {  	s5 =	simm.s32 $_size__tile_overlayer_lowered;
	s6 =	simm.s32 $_tile_overlayer_lowered  }
0x9b: {  	s22 =	simm.s32 $0x1BFF;
	s21 =	sshll.u32 s6, $0x1;
	s3 =	sadd.s32 s4, s19  }
0x9c: {  	s7 =	simm.s32 $0x0;
	s20 =	sshll.u32 s5, $0x1;
	s5 =	sadd.s32 s21, s3  }
0x9d: {  	[timem:s7], [sflag:s22] =	dma.local [hbm:s5], s20  }
0x9e: {  	_ =	swait.ge [sflag:s22], s20  }
0x9f: {  	s4 =	ssub.s32 $0x0, s20;
	[sflag:s22] =	ssyncset.done $0x0  }
0xa0: {  	[sflag:s22] =	ssyncadd.s32 s4;
	_ =	sdelay $0x1  }
0xa1: {  	s23 =	simm.s32 $0x1B8B  }
0xa2: {  	_ =	swait.ge [sflag:s23], $0x1  }
0xa3: {  	[sflag:s23] =	ssyncset.done $0x0  }
0xa4: {  	s25 =	simm.s32 $0x1B8E;
	s24 =	sld [smem:$0x3FFE];
	[sflag:s23] =	ssyncadd.s32 $0xFFFFFFFF  }
0xa5: {  	s26 =	simm.s32 $execute0_lowered;
	[smem:$0x3FD2] =	sst s25  }
0xa6: {  	s5 =	sshll.u32 s26, $0x1;
	_ =	strace $0x80000049;
	[dreg:$0x1] =	wrdreg $0xFFFFFFFF  }
0xa7: {  	s28 =	simm.s32 $_size_execute0_lowered;
	s3 =	sadd.s32 s3, s5;
	[dreg:$0x0] =	wrdreg $0x0  }
0xa8: {  	s5 =	sshll.u32 s28, $0x1;
	[dreg:$0x2] =	wrdreg s3  }
0xa9: {  	[dreg:$0x3] =	wrdreg s5  }
0xaa: {  	[dreg:$0x4] =	wrdreg $0xC0  }
0xab: {  	_ =	task [dreg:s7], $0x5FFFF  }
0xac: {  	[dreg:$0x1] =	wrdreg $0xFFFFFFFF  }
0xad: {  	[dreg:$0x0] =	wrdreg $0x60  }
0xae: {  	[dreg:$0x2] =	wrdreg s24  }
0xaf: {  	[dreg:$0x3] =	wrdreg s2  }
0xb0: {  	[dreg:$0x4] =	wrdreg $0x90000  }
0xb1: {  	[dreg:$0x5] =	wrdreg $0x9  }
0xb2: {  	_ =	task.clear_ibuf [dreg:s7], $0x6FFFF;
	_ =	strace $0x90000049  }
0xb3: {  	s29 =	simm.s32 $0x9;
	_ =	strace $0x8000004B  }
0xb4: {  	_ =	swait.ge [sflag:s29], $0x1  }
0xb5: {  	[sflag:s29] =	ssyncadd.s32 $0xFFFFFFFF  }
0xb6: {  	_ =	strace $0x9000004B  }
0xb7: {  	_ =	sfence  }
0xb8: {  	s30 =	sld [smem:$0x0];
	_ =	sdelay $0x2  }
0xb9: {  	s31 =	sshll.u32 s1, $0xD;
	s1 =	sshrl.u32 s1, $0x2  }
0xba: {  	s3 =	sand.u32 $0x4000, s31;
	s1 =	sadd.s32 s1, s30  }
0xbb: {  	s0 =	sor.u32 s3, s0;
	s1 =	sshll.u32 s1, $0x11  }
0xbc: {  	s0 =	sor.u32 s1, s0  }
0xbd: {  	s0 =	sadd.s32 $0x8F2B, s0  }
0xbe: {  	[sflag:s0] =	ssyncadd.remote.s32 $0x1  }
0xbf: {  	_ =	sfence.sel $0xFFFF  }
0xc0: {  	[dreg:$0x0] =	wrdreg $0xFFFFFFFF;
	(pc) =	sbr.abs _section_cstart, $3  }
0xc1: {  	[dreg:$0x1] =	wrdreg $0xFFFFFFFF  }
0xc2: {  	_ =	task.clear_ibuf [dreg:s7], $0x2FFFF;
	_ =	strace $0x9FFFFFFF  }
0xc3: {  	(tm) =	ssettm $0x7FFFFFFF  }
tec
execute0_lowered:
.L_overlay_start_1:
0x0: {  	(tag) =	ssettag $0x1  }
0x1: {  	s5 =	rddreg [dreg:$0x0]  }
0x2: {  	s0 =	srdreg.scid;
	s8 =	rddreg [dreg:$0x1]  }
0x3: {  	s2 =	rddreg [dreg:$0x2];
	s6 =	sand.u32 $0x1, s0;
	s0 =	stileid.u32  }
0x4: {  	s3 =	simm.s32 $0x0;
	s16 =	simm.s32 $0x1;
	s7 =	smul.u32 $0x14000, s0  }
0x5: {  	s17 =	simm.s32 $0x0;
	[smem:$0x7FF] =	sst s3;
	s10 =	smul.u32 $0x140000, s6  }
0x6: {  	s1 =	sshll.u32 s6, $0x4;
	s6 =	ssub.s32 $0x2, s6;
	s29 =	smul.u32 $0x50000, s0  }
0x7: {  	s31 =	sshll.u32 s0, $0x6;
	s4 =	sor.u32 s0, s1;
	s1 =	rddreg [dreg:$0x3]  }
0x8: {  	_ =	strace $0x8000004A;
	s13 =	sshrl.u32 s6, $0x1;
	s9 =	smul.u32 $0x500, s4  }
0x9: {  	s4 =	sadd.s32 $0xDA00, s5;
	s12 =	sshrl.u32 s7, $0x3;
	s7 =	sadd.s32 s7, s10  }
0xa: {  	s13 =	ssub.s32 s6, s13;
	s30 =	sshrl.u32 s29, $0x2;
	s6 =	sor.u32 $0x1C02, s31  }
0xb: {  	s12 =	sadd.s32 s12, s5;
	s7 =	sshrl.u32 s7, $0x3;
	s15 =	sadd.s32 s30, s2  }
0xc: {  	s10 =	smax.u32 s13, $0x1;
	s13 =	simm.s32 $0x2800;
	s11 =	sadd.s32 s9, s5  }
0xd: {  	s14 =	sadd.s32 s7, s5;
	s5 =	sadd.s32 $0x35A00, s12;
	s8 =	sadd.s32 s8, s9  }
0xe: {  	s12 =	simm.s32 $0x2;
	s7 =	sadd.s32 $0x3A00, s11;
	s9 =	sadd.s32 $0x5DA00, s14  }
0xf: {  	s11 =	sshrl.u32 s15, $0x3;
	s14 =	simm.s32 $0x80;
	s15 =	simm.s32 $0x5000  }
.LBB2_1:
0x10: {  	[spmem:s11], [sflag:s6] =	dma.local [hbm:s5], $0x2800  }
0x11: {  	_ =	swait.ge [sflag:s12], $0x2800  }
0x12: {  	[sflag:s12] =	ssyncset.done $0x0  }
0x13: {  	[sflag:s12] =	ssyncadd.s32 $0xFFFFD800  }
0x14: {  	[tilespmem:s3], [sflag:$0x2] =	stream.linear.gather [hbm4b:s7+s3], $0x2780, $0x38;
	[tilespmem:$0x1D000] =	vst v63  }
0x15: {  	_ =	swait.ge [sflag:s12], $0x2780  }
0x16: {  	[sflag:s12] =	ssyncset.done $0x0  }
0x17: {  	[sflag:s12] =	ssyncadd.s32 $0xFFFFD880  }
0x18: {  	[tilespmem:s13], [sflag:$0x2] =	stream.linear.gather [hbm4b:s8+s3], $0x2780, $0x38;
	[tilespmem:$0x1D000] =	vst v63  }
0x19: {  	_ =	swait.ge [sflag:s12], $0x2780  }
0x1a: {  	[sflag:s12] =	ssyncset.done $0x0  }
0x1b: {  	[sflag:s12] =	ssyncadd.s32 $0xFFFFD880  }
0x1c: {  	s18 =	simm.s32 $0x0;
	[bflag:$0x0] =	sbarrier.arrive $0xFFFF  }
0x1d: {  	[tilespmem:s15], [sflag:$0x1] =	stream.indirect.gather [hbm4b:s4+s14], $0x80, s18, s14, $0xb8;
	[tilespmem:$0x1D000] =	vst v63  }
0x1e: {  	_ =	swait.ge [sflag:s16], $0x4000  }
0x1f: {  	[sflag:s16] =	ssyncset.done $0x0  }
0x20: {  	s31 =	simm.s32 $0x2800;
	[sflag:s16] =	ssyncadd.s32 $0xFFFFC000  }
0x21: {  	[spmem:s2] =	stream.indirect.scatter.add.f32 [tilespmem:s15], [sflag:$0x2], $0x80, s31, s14, $0xb8;
	[tilespmem:$0x1D000] =	vst v63  }
0x22: {  	_ =	swait.ge [sflag:s12], $0x4000  }
0x23: {  	s19 =	simm.s32 $0x400;
	s18 =	simm.s32 $0x200;
	[sflag:s12] =	ssyncset.done $0x0  }
.LBB2_2:
0x24: {  	s20 =	sshra.s32 s18, $0x2  }
0x25: {  	[sflag:s12] =	ssyncadd.s32 $0xFFFFC000;
	s18 =	smov.u32 s19;
	s21 =	sadd.s32 $0x200, s19  }
0x26: {  	[tilespmem:s15], [sflag:$0x1] =	stream.indirect.gather [hbm4b:s4+s14], $0x80, s20, s14, $0xb8;
	[tilespmem:$0x1D000] =	vst v63  }
0x27: {  	p0 =	sne.s32 s19, $0x9C00;
	_ =	swait.ge [sflag:s16], $0x4000  }
.Ltmp0:
0x28: {  	[sflag:s16] =	ssyncset.done $0x0;
	(pc) =	sbr.rel @p0 .LBB2_2-.Ltmp0, $4  }
0x29: {  	s19 =	sadd.s32 $0x2800, s20;
	[sflag:s16] =	ssyncadd.s32 $0xFFFFC000  }
0x2a: {  	[spmem:s2] =	stream.indirect.scatter.add.f32 [tilespmem:s15], [sflag:$0x2], $0x80, s19, s14, $0xb8;
	[tilespmem:$0x1D000] =	vst v63  }
0x2b: {  	_ =	swait.ge [sflag:s12], $0x4000  }
0x2c: {  	s19 =	smov.u32 s21;
	[sflag:s12] =	ssyncset.done $0x0  }
0x2d: {  	s18 =	sshra.s32 s18, $0x2;
	[sflag:s12] =	ssyncadd.s32 $0xFFFFC000  }
0x2e: {  	[tilespmem:s15], [sflag:$0x1] =	stream.indirect.gather [hbm4b:s4+s14], $0x80, s18, s14, $0xb8;
	[tilespmem:$0x1D000] =	vst v63  }
0x2f: {  	_ =	swait.ge [sflag:s16], $0x4000  }
0x30: {  	[sflag:s16] =	ssyncset.done $0x0  }
0x31: {  	s18 =	sadd.s32 $0x2800, s18;
	[sflag:s16] =	ssyncadd.s32 $0xFFFFC000  }
0x32: {  	[spmem:s2] =	stream.indirect.scatter.add.f32 [tilespmem:s15], [sflag:$0x2], $0x80, s18, s14, $0xb8;
	[tilespmem:$0x1D000] =	vst v63  }
0x33: {  	_ =	swait.ge [sflag:s12], $0x4000  }
0x34: {  	s17 =	sadd.s32 $0x1, s17;
	[sflag:s12] =	ssyncset.done $0x0  }
0x35: {  	p0 =	sne.s32 s17, s10;
	[sflag:s12] =	ssyncadd.s32 $0xFFFFC000  }
.Ltmp1:
0x36: {  	[bflag:$0x0] =	sbarrier.arrive $0xFFFF;
	(pc) =	sbr.rel @p0 .LBB2_1-.Ltmp1, $4  }
0x37: {  	[hbm:s9], [sflag:s6] =	dma.local [spmem:s11], $0x2800  }
0x38: {  	_ =	swait.ge [sflag:s12], $0x2800  }
0x39: {  	[sflag:s12] =	ssyncset.done $0x0  }
0x3a: {  	[sflag:s12] =	ssyncadd.s32 $0xFFFFD800  }
0x3b: {  	_ =	sfence.sel $0x180000  }
0x3c: {  	[bflag:$0x0] =	sbarrier.arrive $0xFFFF  }
0x3d: {  	p0 =	sne.s32 s0, $0x0;
	_ =	strace $0x9000004A  }
0x3e: {  	s0 =	sadd.s32 @!p0 $0x100000, s1;
	[bflag:$0x2] =	sbarrier.arrive $0xFFFF  }
0x3f: {  	[sflag:s0] =	ssyncadd.tile.s32 @!p0 $0x1;
	_ =	shalt  }
.Lfunc_end2:
_tile_overlayer_lowered:
.L_overlay_start_2:
0x40: {  	(tag) =	ssettag $0x2  }
0x41: {  	s0 =	rddreg [dreg:$0x0];
	s2 =	stileid.u32  }
0x42: {  	s1 =	rddreg [dreg:$0x1];
	p0 =	sne.s32 s2, $0x0  }
0x43: {  	s3 =	rddreg [dreg:$0x2];
	[bflag:$0x3] =	sbarrier.arrive $0xFFFF;
	s2 =	simm.s32 @!p0 $0x1C02  }
0x44: {  	[timem:s3], [sflag:s2] =	dma.local @!p0 [hbm:s0], s1  }
0x45: {  	s0 =	simm.s32 @!p0 $0x2  }
0x46: {  	_ =	swait.ge @!p0 [sflag:s0], s1  }
0x47: {  	s1 =	ssub.s32 @!p0 $0x0, s1;
	[sflag:s0] =	ssyncset.done @!p0 $0x0  }
0x48: {  	[sflag:s0] =	ssyncadd.s32 @!p0 s1  }
0x49: {  	[bflag:$0x3] =	sbarrier.arrive $0xFFFF  }
0x4a: {  	_ =	shalt  }

// kernel: kernel.16.cloned.1.call-start
scs
__scs_entry_jumppad:
0x0: {  	(pc) =	sbr.rel $0x88, $3  }
0x1: {  	(tag) =	ssettag $0x0;
	lr =	simm.s32 $0x1  }
0x2: {  	[smem:$0x3F99] =	sst lr;
	_ =	strace $0xD0000000  }
0x3: {  	_ = 	snop  }
0x4: {  	_ = 	snop  }
0x5: {  	_ = 	snop  }
0x6: {  	_ = 	snop  }
0x7: {  	_ = 	snop  }
__scs_overlays_trampoline_lowered:
0x8: {  	[smem:$0x3FA8] =	sst s0  }
0x9: {  	[smem:$0x3FA9] =	sst s1  }
0xa: {  	[smem:$0x3FAA] =	sst s2  }
0xb: {  	[smem:$0x3FAB] =	sst s3  }
0xc: {  	[smem:$0x3FAC] =	sst s4  }
0xd: {  	[smem:$0x3FAD] =	sst s5  }
0xe: {  	[smem:$0x3FAE] =	sst s6  }
0xf: {  	[smem:$0x3FAF] =	sst s7  }
0x10: {  	[smem:$0x3FB0] =	sst s8  }
0x11: {  	[smem:$0x3FB1] =	sst s9;
	s0 =	simm.s32 @!p0 $0x0  }
0x12: {  	s1 =	sld [smem:$0x3F97];
	s0 =	simm.s32 @p0 $0x1  }
0x13: {  	[smem:$0x3FB2] =	sst s0;
	s0 =	simm.s32 @!p1 $0x0  }
0x14: {  	s2 =	sld [smem:$0x3F96];
	s0 =	simm.s32 @p1 $0x1  }
0x15: {  	[smem:$0x3FB3] =	sst s0;
	s0 =	simm.s32 @!p2 $0x0  }
0x16: {  	s3 =	sld [smem:$0x3FDB];
	s0 =	simm.s32 @p2 $0x1  }
0x17: {  	s4 =	simm.s32 $0x1BF5;
	[smem:$0x3FB5] =	sst s0  }
0x18: {  	s0 =	sld [smem:$0x3F98];
	_ =	swait.ge [sflag:s4], $0x0  }
0x19: {  	s7 =	sld [smem:$0x3F99]  }
0x1a: {  	s8 =	sadd.s32 $0xFFFFE003, lr  }
0x1b: {  	s9 =	sadd.s32 $0xFFFFFEF7, lr;
	s5 =	simm.s32 $0xFFFFFFFF;
	p2 =	slt.u32 s8, $0xFFFFF086  }
0x1c: {  	p1 =	slt.u32 s9, $0xF7A;
	s5 =	simm.s32 @!p2 $0x0  }
0x1d: {  	s5 =	simm.s32 @p1 $0x1;
	p0 =	seq.s32 s7, s2  }
0x1e: {  	s7 =	smul.u32 @!p0 $0xF7A, s2;
	p2 =	seq.s32 @!p0 s5, $0x0  }
0x1f: {  	s9 =	smul.u32 $0xF7A, s1;
	s8 =	simm.s32 @!p0 $0x1BF5;
	p2 =	por !p2, p0  }
0x20: {  	[sflag:s8] =	ssyncset.s32 @!p0 $0xFFFFF086;
	s6 =	sadd.s32 @!p0 s3, s7;
	s7 =	simm.s32 @!p0 $0x108  }
0x21: {  	s3 =	sadd.s32 s3, s9;
	s6 =	sadd.s32 @!p0 $0x88, s6;
	s7 =	simm.s32 @p2 $0x1082  }
0x22: {  	[simem:s7], [sflag:s8] =	dma.local @!p0 [hbm:s6], $0xF7A  }
0x23: {  	s9 =	sor.u32 $0xD0000000, s2;
	s6 =	simm.s32 $0x108;
	_ =	swait.ge @!p0 [sflag:s8], $0x0  }
0x24: {  	s3 =	sadd.s32 $0x88, s3;
	s6 =	simm.s32 @!p1 $0x1082;
	[sflag:s4] =	ssyncset.s32 $0xFFFFF086  }
0x25: {  	[simem:s6], [sflag:s4] =	dma.local [hbm:s3], $0xF7A  }
0x26: {  	[smem:$0x3F99] =	sst s1;
	(tag) =	ssettag s2;
	_ =	strace s9  }
0x27: {  	s1 =	sld [smem:$0x3FA9]  }
0x28: {  	s2 =	sld [smem:$0x3FAA]  }
0x29: {  	s4 =	sld [smem:$0x3FAC]  }
0x2a: {  	p0 =	seq.s32 s5, $0x0;
	s5 =	sld [smem:$0x3FAD]  }
0x2b: {  	s6 =	sld [smem:$0x3FAE]  }
0x2c: {  	s7 =	sld [smem:$0x3FAF]  }
0x2d: {  	s3 =	simm.s32 $0x108;
	s8 =	sld [smem:$0x3FB0]  }
0x2e: {  	s3 =	simm.s32 @!p0 $0x1082;
	s9 =	sld [smem:$0x3FB1]  }
0x2f: {  	lr =	sadd.s32 s0, s3;
	s0 =	sld [smem:$0x3FA8]  }
0x30: {  	s3 =	sld [smem:$0x3FAB]  }
0x31: {  	[smem:$0x3FB4] =	sst s10  }
0x32: {  	s10 =	sld [smem:$0x3FB2];
	_ =	sdelay $0x3  }
0x33: {  	p0 =	seq.s32 s10, $0x1;
	s10 =	sld [smem:$0x3FB4];
	_ =	sdelay $0x3  }
0x34: {  	[smem:$0x3FB4] =	sst s10  }
0x35: {  	s10 =	sld [smem:$0x3FB3];
	_ =	sdelay $0x3  }
0x36: {  	p1 =	seq.s32 s10, $0x1;
	s10 =	sld [smem:$0x3FB4];
	_ =	sdelay $0x3  }
0x37: {  	[smem:$0x3FB4] =	sst s10  }
0x38: {  	s10 =	sld [smem:$0x3FB5]  }
0x39: {  	_ = 	snop;
	(pc) =	sbr.ind lr, $3  }
0x3a: {  	_ = 	snop  }
0x3b: {  	_ = 	snop  }
0x3c: {  	p2 =	seq.s32 s10, $0x1;
	s10 =	sld [smem:$0x3FB4]  }
0x3d: {  	_ =	shalt  }
0x3e: {  	_ =	shalt  }
0x3f: {  	_ =	shalt  }
0x40: {  	_ =	shalt  }
0x41: {  	_ =	shalt  }
0x42: {  	_ =	shalt  }
0x43: {  	_ =	shalt  }
0x44: {  	_ =	shalt  }
0x45: {  	_ =	shalt  }
0x46: {  	_ =	shalt  }
0x47: {  	_ =	shalt  }
0x48: {  	_ =	shalt  }
0x49: {  	_ =	shalt  }
0x4a: {  	_ =	shalt  }
0x4b: {  	_ =	shalt  }
0x4c: {  	_ =	shalt  }
0x4d: {  	_ =	shalt  }
0x4e: {  	_ =	shalt  }
0x4f: {  	_ =	shalt  }
0x50: {  	_ =	shalt  }
0x51: {  	_ =	shalt  }
0x52: {  	_ =	shalt  }
0x53: {  	_ =	shalt  }
0x54: {  	_ =	shalt  }
0x55: {  	_ =	shalt  }
0x56: {  	_ =	shalt  }
0x57: {  	_ =	shalt  }
0x58: {  	_ =	shalt  }
0x59: {  	_ =	shalt  }
0x5a: {  	_ =	shalt  }
0x5b: {  	_ =	shalt  }
0x5c: {  	_ =	shalt  }
0x5d: {  	_ =	shalt  }
0x5e: {  	_ =	shalt  }
0x5f: {  	_ =	shalt  }
0x60: {  	_ =	shalt  }
0x61: {  	_ =	shalt  }
0x62: {  	_ =	shalt  }
0x63: {  	_ =	shalt  }
0x64: {  	_ =	shalt  }
0x65: {  	_ =	shalt  }
0x66: {  	_ =	shalt  }
0x67: {  	_ =	shalt  }
0x68: {  	_ =	shalt  }
0x69: {  	_ =	shalt  }
0x6a: {  	_ =	shalt  }
0x6b: {  	_ =	shalt  }
0x6c: {  	_ =	shalt  }
0x6d: {  	_ =	shalt  }
0x6e: {  	_ =	shalt  }
0x6f: {  	_ =	shalt  }
0x70: {  	_ =	shalt  }
0x71: {  	_ =	shalt  }
0x72: {  	_ =	shalt  }
0x73: {  	_ =	shalt  }
0x74: {  	_ =	shalt  }
0x75: {  	_ =	shalt  }
0x76: {  	_ =	shalt  }
0x77: {  	_ =	shalt  }
0x78: {  	_ =	shalt  }
0x79: {  	_ =	shalt  }
0x7a: {  	_ =	shalt  }
0x7b: {  	_ =	shalt  }
0x7c: {  	_ =	shalt  }
0x7d: {  	_ =	shalt  }
0x7e: {  	_ =	shalt  }
0x7f: {  	_ =	shalt  }
0x80: {  	_ =	shalt  }
0x81: {  	_ =	shalt  }
0x82: {  	_ =	shalt  }
0x83: {  	_ =	shalt  }
0x84: {  	_ =	shalt  }
0x85: {  	_ =	shalt  }
0x86: {  	_ =	shalt  }
0x87: {  	_ =	shalt  }
.Lfunc_end0:
.L_simem_size_0:
called_computation.2_lowered:
.L_overlay_start_0:
0x88: {  	s2 =	sld [smem:$0x3FD9]  }
0x89: {  	s3 =	sld [smem:$0x3FFE];
	_ =	sdelay $0x1  }
0x8a: {  	s1 =	srdreg.scid  }
0x8b: {  	s0 =	sand.u32 $0x1, s1  }
0x8c: {  	s17 =	sshll.u32 s0, $0xA;
	s2 =	sadd.s32 s3, s2  }
0x8d: {  	s2 =	sadd.s32 s2, s17  }
0x8e: {  	[smem:$0x3FC0] =	sst s2  }
0x8f: {  	_ = 	snop  }
0x90: {  	s2 =	sld [smem:$0x3FD0];
	(tm) =	ssettm $0x1  }
0x91: {  	s18 =	sld [smem:$0x3FFB];
	_ =	sdelay $0x3  }
0x92: {  	_ =	strace s18  }
0x93: {  	s3 =	sld [smem:$0x3FFC];
	_ =	sdelay $0x3  }
0x94: {  	_ =	strace s3  }
0x95: {  	s3 =	sld [smem:$0x3FFD];
	_ =	sdelay $0x3  }
0x96: {  	_ =	strace s3  }
0x97: {  	_ =	strace $0x8FFFFFFF  }
0x98: {  	s19 =	sld [smem:$0x3FDB];
	_ =	sdelay $0x1  }
0x99: {  	s4 =	simm.s32 $_scs_section_size  }
0x9a: {  	s5 =	simm.s32 $_size__tile_overlayer_lowered;
	s6 =	simm.s32 $_tile_overlayer_lowered  }
0x9b: {  	s22 =	simm.s32 $0x1BFF;
	s21 =	sshll.u32 s6, $0x1;
	s3 =	sadd.s32 s4, s19  }
0x9c: {  	s7 =	simm.s32 $0x0;
	s20 =	sshll.u32 s5, $0x1;
	s5 =	sadd.s32 s21, s3  }
0x9d: {  	[timem:s7], [sflag:s22] =	dma.local [hbm:s5], s20  }
0x9e: {  	_ =	swait.ge [sflag:s22], s20  }
0x9f: {  	s4 =	ssub.s32 $0x0, s20;
	[sflag:s22] =	ssyncset.done $0x0  }
0xa0: {  	[sflag:s22] =	ssyncadd.s32 s4;
	_ =	sdelay $0x1  }
0xa1: {  	s23 =	simm.s32 $0x1B8B  }
0xa2: {  	_ =	swait.ge [sflag:s23], $0x1  }
0xa3: {  	[sflag:s23] =	ssyncset.done $0x0  }
0xa4: {  	s25 =	simm.s32 $0x1B8E;
	s24 =	sld [smem:$0x3FFE];
	[sflag:s23] =	ssyncadd.s32 $0xFFFFFFFF  }
0xa5: {  	s26 =	simm.s32 $execute0_lowered;
	[smem:$0x3FD2] =	sst s25  }
0xa6: {  	s5 =	sshll.u32 s26, $0x1;
	_ =	strace $0x8000004C;
	[dreg:$0x1] =	wrdreg $0xFFFFFFFF  }
0xa7: {  	s28 =	simm.s32 $_size_execute0_lowered;
	s3 =	sadd.s32 s3, s5;
	[dreg:$0x0] =	wrdreg $0x0  }
0xa8: {  	s5 =	sshll.u32 s28, $0x1;
	[dreg:$0x2] =	wrdreg s3  }
0xa9: {  	[dreg:$0x3] =	wrdreg s5  }
0xaa: {  	[dreg:$0x4] =	wrdreg $0xC0  }
0xab: {  	_ =	task [dreg:s7], $0x5FFFF  }
0xac: {  	[dreg:$0x1] =	wrdreg $0xFFFFFFFF  }
0xad: {  	[dreg:$0x0] =	wrdreg $0x60  }
0xae: {  	[dreg:$0x2] =	wrdreg s24  }
0xaf: {  	[dreg:$0x3] =	wrdreg s2  }
0xb0: {  	[dreg:$0x4] =	wrdreg $0x90000  }
0xb1: {  	[dreg:$0x5] =	wrdreg $0x9  }
0xb2: {  	_ =	task.clear_ibuf [dreg:s7], $0x6FFFF;
	_ =	strace $0x9000004C  }
0xb3: {  	s29 =	simm.s32 $0x9;
	_ =	strace $0x8000004E  }
0xb4: {  	_ =	swait.ge [sflag:s29], $0x1  }
0xb5: {  	[sflag:s29] =	ssyncadd.s32 $0xFFFFFFFF  }
0xb6: {  	_ =	strace $0x9000004E  }
0xb7: {  	_ =	sfence  }
0xb8: {  	s30 =	sld [smem:$0x0];
	_ =	sdelay $0x2  }
0xb9: {  	s31 =	sshll.u32 s1, $0xD;
	s1 =	sshrl.u32 s1, $0x2  }
0xba: {  	s3 =	sand.u32 $0x4000, s31;
	s1 =	sadd.s32 s1, s30  }
0xbb: {  	s0 =	sor.u32 s3, s0;
	s1 =	sshll.u32 s1, $0x11  }
0xbc: {  	s0 =	sor.u32 s1, s0  }
0xbd: {  	s0 =	sadd.s32 $0x8F2B, s0  }
0xbe: {  	[sflag:s0] =	ssyncadd.remote.s32 $0x1  }
0xbf: {  	_ =	sfence.sel $0xFFFF  }
0xc0: {  	[dreg:$0x0] =	wrdreg $0xFFFFFFFF;
	(pc) =	sbr.abs _section_cstart, $3  }
0xc1: {  	[dreg:$0x1] =	wrdreg $0xFFFFFFFF  }
0xc2: {  	_ =	task.clear_ibuf [dreg:s7], $0x2FFFF;
	_ =	strace $0x9FFFFFFF  }
0xc3: {  	(tm) =	ssettm $0x7FFFFFFF  }
tec
execute0_lowered:
.L_overlay_start_1:
0x0: {  	(tag) =	ssettag $0x1  }
0x1: {  	s5 =	rddreg [dreg:$0x0]  }
0x2: {  	s0 =	srdreg.scid;
	s8 =	rddreg [dreg:$0x1]  }
0x3: {  	s2 =	rddreg [dreg:$0x2];
	s6 =	sand.u32 $0x1, s0;
	s0 =	stileid.u32  }
0x4: {  	s3 =	simm.s32 $0x0;
	s16 =	simm.s32 $0x1;
	s7 =	smul.u32 $0x14000, s0  }
0x5: {  	s17 =	simm.s32 $0x0;
	[smem:$0x7FF] =	sst s3;
	s10 =	smul.u32 $0x140000, s6  }
0x6: {  	s1 =	sshll.u32 s6, $0x4;
	s6 =	ssub.s32 $0x2, s6;
	s29 =	smul.u32 $0x50000, s0  }
0x7: {  	s31 =	sshll.u32 s0, $0x6;
	s4 =	sor.u32 s0, s1;
	s1 =	rddreg [dreg:$0x3]  }
0x8: {  	_ =	strace $0x8000004D;
	s13 =	sshrl.u32 s6, $0x1;
	s9 =	smul.u32 $0x500, s4  }
0x9: {  	s4 =	sadd.s32 $0xDA00, s5;
	s12 =	sshrl.u32 s7, $0x3;
	s7 =	sadd.s32 s7, s10  }
0xa: {  	s13 =	ssub.s32 s6, s13;
	s30 =	sshrl.u32 s29, $0x2;
	s6 =	sor.u32 $0x1C02, s31  }
0xb: {  	s12 =	sadd.s32 s12, s5;
	s7 =	sshrl.u32 s7, $0x3;
	s15 =	sadd.s32 s30, s2  }
0xc: {  	s10 =	smax.u32 s13, $0x1;
	s13 =	simm.s32 $0x2800;
	s11 =	sadd.s32 s9, s5  }
0xd: {  	s14 =	sadd.s32 s7, s5;
	s5 =	sadd.s32 $0x35A00, s12;
	s8 =	sadd.s32 s8, s9  }
0xe: {  	s12 =	simm.s32 $0x2;
	s7 =	sadd.s32 $0x3A00, s11;
	s9 =	sadd.s32 $0x5DA00, s14  }
0xf: {  	s11 =	sshrl.u32 s15, $0x3;
	s14 =	simm.s32 $0x80;
	s15 =	simm.s32 $0x5000  }
.LBB2_1:
0x10: {  	[spmem:s11], [sflag:s6] =	dma.local [hbm:s5], $0x2800  }
0x11: {  	_ =	swait.ge [sflag:s12], $0x2800  }
0x12: {  	[sflag:s12] =	ssyncset.done $0x0  }
0x13: {  	[sflag:s12] =	ssyncadd.s32 $0xFFFFD800  }
0x14: {  	[tilespmem:s3], [sflag:$0x2] =	stream.linear.gather [hbm4b:s7+s3], $0x2780, $0x38;
	[tilespmem:$0x1D000] =	vst v63  }
0x15: {  	_ =	swait.ge [sflag:s12], $0x2780  }
0x16: {  	[sflag:s12] =	ssyncset.done $0x0  }
0x17: {  	[sflag:s12] =	ssyncadd.s32 $0xFFFFD880  }
0x18: {  	[tilespmem:s13], [sflag:$0x2] =	stream.linear.gather [hbm4b:s8+s3], $0x2780, $0x38;
	[tilespmem:$0x1D000] =	vst v63  }
0x19: {  	_ =	swait.ge [sflag:s12], $0x2780  }
0x1a: {  	[sflag:s12] =	ssyncset.done $0x0  }
0x1b: {  	[sflag:s12] =	ssyncadd.s32 $0xFFFFD880  }
0x1c: {  	s18 =	simm.s32 $0x0;
	[bflag:$0x0] =	sbarrier.arrive $0xFFFF  }
0x1d: {  	[tilespmem:s15], [sflag:$0x1] =	stream.indirect.gather [hbm4b:s4+s14], $0x80, s18, s14, $0xb8;
	[tilespmem:$0x1D000] =	vst v63  }
0x1e: {  	_ =	swait.ge [sflag:s16], $0x4000  }
0x1f: {  	[sflag:s16] =	ssyncset.done $0x0  }
0x20: {  	s31 =	simm.s32 $0x2800;
	[sflag:s16] =	ssyncadd.s32 $0xFFFFC000  }
0x21: {  	[spmem:s2] =	stream.indirect.scatter.add.f32 [tilespmem:s15], [sflag:$0x2], $0x80, s31, s14, $0xb8;
	[tilespmem:$0x1D000] =	vst v63  }
0x22: {  	_ =	swait.ge [sflag:s12], $0x4000  }
0x23: {  	s19 =	simm.s32 $0x400;
	s18 =	simm.s32 $0x200;
	[sflag:s12] =	ssyncset.done $0x0  }
.LBB2_2:
0x24: {  	s20 =	sshra.s32 s18, $0x2  }
0x25: {  	[sflag:s12] =	ssyncadd.s32 $0xFFFFC000;
	s18 =	smov.u32 s19;
	s21 =	sadd.s32 $0x200, s19  }
0x26: {  	[tilespmem:s15], [sflag:$0x1] =	stream.indirect.gather [hbm4b:s4+s14], $0x80, s20, s14, $0xb8;
	[tilespmem:$0x1D000] =	vst v63  }
0x27: {  	p0 =	sne.s32 s19, $0x9C00;
	_ =	swait.ge [sflag:s16], $0x4000  }
.Ltmp0:
0x28: {  	[sflag:s16] =	ssyncset.done $0x0;
	(pc) =	sbr.rel @p0 .LBB2_2-.Ltmp0, $4  }
0x29: {  	s19 =	sadd.s32 $0x2800, s20;
	[sflag:s16] =	ssyncadd.s32 $0xFFFFC000  }
0x2a: {  	[spmem:s2] =	stream.indirect.scatter.add.f32 [tilespmem:s15], [sflag:$0x2], $0x80, s19, s14, $0xb8;
	[tilespmem:$0x1D000] =	vst v63  }
0x2b: {  	_ =	swait.ge [sflag:s12], $0x4000  }
0x2c: {  	s19 =	smov.u32 s21;
	[sflag:s12] =	ssyncset.done $0x0  }
0x2d: {  	s18 =	sshra.s32 s18, $0x2;
	[sflag:s12] =	ssyncadd.s32 $0xFFFFC000  }
0x2e: {  	[tilespmem:s15], [sflag:$0x1] =	stream.indirect.gather [hbm4b:s4+s14], $0x80, s18, s14, $0xb8;
	[tilespmem:$0x1D000] =	vst v63  }
0x2f: {  	_ =	swait.ge [sflag:s16], $0x4000  }
0x30: {  	[sflag:s16] =	ssyncset.done $0x0  }
0x31: {  	s18 =	sadd.s32 $0x2800, s18;
	[sflag:s16] =	ssyncadd.s32 $0xFFFFC000  }
0x32: {  	[spmem:s2] =	stream.indirect.scatter.add.f32 [tilespmem:s15], [sflag:$0x2], $0x80, s18, s14, $0xb8;
	[tilespmem:$0x1D000] =	vst v63  }
0x33: {  	_ =	swait.ge [sflag:s12], $0x4000  }
0x34: {  	s17 =	sadd.s32 $0x1, s17;
	[sflag:s12] =	ssyncset.done $0x0  }
0x35: {  	p0 =	sne.s32 s17, s10;
	[sflag:s12] =	ssyncadd.s32 $0xFFFFC000  }
.Ltmp1:
0x36: {  	[bflag:$0x0] =	sbarrier.arrive $0xFFFF;
	(pc) =	sbr.rel @p0 .LBB2_1-.Ltmp1, $4  }
0x37: {  	[hbm:s9], [sflag:s6] =	dma.local [spmem:s11], $0x2800  }
0x38: {  	_ =	swait.ge [sflag:s12], $0x2800  }
0x39: {  	[sflag:s12] =	ssyncset.done $0x0  }
0x3a: {  	[sflag:s12] =	ssyncadd.s32 $0xFFFFD800  }
0x3b: {  	_ =	sfence.sel $0x180000  }
0x3c: {  	[bflag:$0x0] =	sbarrier.arrive $0xFFFF  }
0x3d: {  	p0 =	sne.s32 s0, $0x0;
	_ =	strace $0x9000004D  }
0x3e: {  	s0 =	sadd.s32 @!p0 $0x100000, s1;
	[bflag:$0x2] =	sbarrier.arrive $0xFFFF  }
0x3f: {  	[sflag:s0] =	ssyncadd.tile.s32 @!p0 $0x1;
	_ =	shalt  }
.Lfunc_end2:
_tile_overlayer_lowered:
.L_overlay_start_2:
0x40: {  	(tag) =	ssettag $0x2  }
0x41: {  	s0 =	rddreg [dreg:$0x0];
	s2 =	stileid.u32  }
0x42: {  	s1 =	rddreg [dreg:$0x1];
	p0 =	sne.s32 s2, $0x0  }
0x43: {  	s3 =	rddreg [dreg:$0x2];
	[bflag:$0x3] =	sbarrier.arrive $0xFFFF;
	s2 =	simm.s32 @!p0 $0x1C02  }
0x44: {  	[timem:s3], [sflag:s2] =	dma.local @!p0 [hbm:s0], s1  }
0x45: {  	s0 =	simm.s32 @!p0 $0x2  }
0x46: {  	_ =	swait.ge @!p0 [sflag:s0], s1  }
0x47: {  	s1 =	ssub.s32 @!p0 $0x0, s1;
	[sflag:s0] =	ssyncset.done @!p0 $0x0  }
0x48: {  	[sflag:s0] =	ssyncadd.s32 @!p0 s1  }
0x49: {  	[bflag:$0x3] =	sbarrier.arrive $0xFFFF  }
0x4a: {  	_ =	shalt  }

// kernel: kernel.19.cloned.1.call-start
scs
__scs_entry_jumppad:
0x0: {  	(pc) =	sbr.rel $0x88, $3  }
0x1: {  	(tag) =	ssettag $0x0;
	lr =	simm.s32 $0x1  }
0x2: {  	[smem:$0x3F99] =	sst lr;
	_ =	strace $0xD0000000  }
0x3: {  	_ = 	snop  }
0x4: {  	_ = 	snop  }
0x5: {  	_ = 	snop  }
0x6: {  	_ = 	snop  }
0x7: {  	_ = 	snop  }
__scs_overlays_trampoline_lowered:
0x8: {  	[smem:$0x3FA8] =	sst s0  }
0x9: {  	[smem:$0x3FA9] =	sst s1  }
0xa: {  	[smem:$0x3FAA] =	sst s2  }
0xb: {  	[smem:$0x3FAB] =	sst s3  }
0xc: {  	[smem:$0x3FAC] =	sst s4  }
0xd: {  	[smem:$0x3FAD] =	sst s5  }
0xe: {  	[smem:$0x3FAE] =	sst s6  }
0xf: {  	[smem:$0x3FAF] =	sst s7  }
0x10: {  	[smem:$0x3FB0] =	sst s8  }
0x11: {  	[smem:$0x3FB1] =	sst s9;
	s0 =	simm.s32 @!p0 $0x0  }
0x12: {  	s1 =	sld [smem:$0x3F97];
	s0 =	simm.s32 @p0 $0x1  }
0x13: {  	[smem:$0x3FB2] =	sst s0;
	s0 =	simm.s32 @!p1 $0x0  }
0x14: {  	s2 =	sld [smem:$0x3F96];
	s0 =	simm.s32 @p1 $0x1  }
0x15: {  	[smem:$0x3FB3] =	sst s0;
	s0 =	simm.s32 @!p2 $0x0  }
0x16: {  	s3 =	sld [smem:$0x3FDB];
	s0 =	simm.s32 @p2 $0x1  }
0x17: {  	s4 =	simm.s32 $0x1BF5;
	[smem:$0x3FB5] =	sst s0  }
0x18: {  	s0 =	sld [smem:$0x3F98];
	_ =	swait.ge [sflag:s4], $0x0  }
0x19: {  	s7 =	sld [smem:$0x3F99]  }
0x1a: {  	s8 =	sadd.s32 $0xFFFFE003, lr  }
0x1b: {  	s9 =	sadd.s32 $0xFFFFFEF7, lr;
	s5 =	simm.s32 $0xFFFFFFFF;
	p2 =	slt.u32 s8, $0xFFFFF086  }
0x1c: {  	p1 =	slt.u32 s9, $0xF7A;
	s5 =	simm.s32 @!p2 $0x0  }
0x1d: {  	s5 =	simm.s32 @p1 $0x1;
	p0 =	seq.s32 s7, s2  }
0x1e: {  	s7 =	smul.u32 @!p0 $0xF7A, s2;
	p2 =	seq.s32 @!p0 s5, $0x0  }
0x1f: {  	s9 =	smul.u32 $0xF7A, s1;
	s8 =	simm.s32 @!p0 $0x1BF5;
	p2 =	por !p2, p0  }
0x20: {  	[sflag:s8] =	ssyncset.s32 @!p0 $0xFFFFF086;
	s6 =	sadd.s32 @!p0 s3, s7;
	s7 =	simm.s32 @!p0 $0x108  }
0x21: {  	s3 =	sadd.s32 s3, s9;
	s6 =	sadd.s32 @!p0 $0x88, s6;
	s7 =	simm.s32 @p2 $0x1082  }
0x22: {  	[simem:s7], [sflag:s8] =	dma.local @!p0 [hbm:s6], $0xF7A  }
0x23: {  	s9 =	sor.u32 $0xD0000000, s2;
	s6 =	simm.s32 $0x108;
	_ =	swait.ge @!p0 [sflag:s8], $0x0  }
0x24: {  	s3 =	sadd.s32 $0x88, s3;
	s6 =	simm.s32 @!p1 $0x1082;
	[sflag:s4] =	ssyncset.s32 $0xFFFFF086  }
0x25: {  	[simem:s6], [sflag:s4] =	dma.local [hbm:s3], $0xF7A  }
0x26: {  	[smem:$0x3F99] =	sst s1;
	(tag) =	ssettag s2;
	_ =	strace s9  }
0x27: {  	s1 =	sld [smem:$0x3FA9]  }
0x28: {  	s2 =	sld [smem:$0x3FAA]  }
0x29: {  	s4 =	sld [smem:$0x3FAC]  }
0x2a: {  	p0 =	seq.s32 s5, $0x0;
	s5 =	sld [smem:$0x3FAD]  }
0x2b: {  	s6 =	sld [smem:$0x3FAE]  }
0x2c: {  	s7 =	sld [smem:$0x3FAF]  }
0x2d: {  	s3 =	simm.s32 $0x108;
	s8 =	sld [smem:$0x3FB0]  }
0x2e: {  	s3 =	simm.s32 @!p0 $0x1082;
	s9 =	sld [smem:$0x3FB1]  }
0x2f: {  	lr =	sadd.s32 s0, s3;
	s0 =	sld [smem:$0x3FA8]  }
0x30: {  	s3 =	sld [smem:$0x3FAB]  }
0x31: {  	[smem:$0x3FB4] =	sst s10  }
0x32: {  	s10 =	sld [smem:$0x3FB2];
	_ =	sdelay $0x3  }
0x33: {  	p0 =	seq.s32 s10, $0x1;
	s10 =	sld [smem:$0x3FB4];
	_ =	sdelay $0x3  }
0x34: {  	[smem:$0x3FB4] =	sst s10  }
0x35: {  	s10 =	sld [smem:$0x3FB3];
	_ =	sdelay $0x3  }
0x36: {  	p1 =	seq.s32 s10, $0x1;
	s10 =	sld [smem:$0x3FB4];
	_ =	sdelay $0x3  }
0x37: {  	[smem:$0x3FB4] =	sst s10  }
0x38: {  	s10 =	sld [smem:$0x3FB5]  }
0x39: {  	_ = 	snop;
	(pc) =	sbr.ind lr, $3  }
0x3a: {  	_ = 	snop  }
0x3b: {  	_ = 	snop  }
0x3c: {  	p2 =	seq.s32 s10, $0x1;
	s10 =	sld [smem:$0x3FB4]  }
0x3d: {  	_ =	shalt  }
0x3e: {  	_ =	shalt  }
0x3f: {  	_ =	shalt  }
0x40: {  	_ =	shalt  }
0x41: {  	_ =	shalt  }
0x42: {  	_ =	shalt  }
0x43: {  	_ =	shalt  }
0x44: {  	_ =	shalt  }
0x45: {  	_ =	shalt  }
0x46: {  	_ =	shalt  }
0x47: {  	_ =	shalt  }
0x48: {  	_ =	shalt  }
0x49: {  	_ =	shalt  }
0x4a: {  	_ =	shalt  }
0x4b: {  	_ =	shalt  }
0x4c: {  	_ =	shalt  }
0x4d: {  	_ =	shalt  }
0x4e: {  	_ =	shalt  }
0x4f: {  	_ =	shalt  }
0x50: {  	_ =	shalt  }
0x51: {  	_ =	shalt  }
0x52: {  	_ =	shalt  }
0x53: {  	_ =	shalt  }
0x54: {  	_ =	shalt  }
0x55: {  	_ =	shalt  }
0x56: {  	_ =	shalt  }
0x57: {  	_ =	shalt  }
0x58: {  	_ =	shalt  }
0x59: {  	_ =	shalt  }
0x5a: {  	_ =	shalt  }
0x5b: {  	_ =	shalt  }
0x5c: {  	_ =	shalt  }
0x5d: {  	_ =	shalt  }
0x5e: {  	_ =	shalt  }
0x5f: {  	_ =	shalt  }
0x60: {  	_ =	shalt  }
0x61: {  	_ =	shalt  }
0x62: {  	_ =	shalt  }
0x63: {  	_ =	shalt  }
0x64: {  	_ =	shalt  }
0x65: {  	_ =	shalt  }
0x66: {  	_ =	shalt  }
0x67: {  	_ =	shalt  }
0x68: {  	_ =	shalt  }
0x69: {  	_ =	shalt  }
0x6a: {  	_ =	shalt  }
0x6b: {  	_ =	shalt  }
0x6c: {  	_ =	shalt  }
0x6d: {  	_ =	shalt  }
0x6e: {  	_ =	shalt  }
0x6f: {  	_ =	shalt  }
0x70: {  	_ =	shalt  }
0x71: {  	_ =	shalt  }
0x72: {  	_ =	shalt  }
0x73: {  	_ =	shalt  }
0x74: {  	_ =	shalt  }
0x75: {  	_ =	shalt  }
0x76: {  	_ =	shalt  }
0x77: {  	_ =	shalt  }
0x78: {  	_ =	shalt  }
0x79: {  	_ =	shalt  }
0x7a: {  	_ =	shalt  }
0x7b: {  	_ =	shalt  }
0x7c: {  	_ =	shalt  }
0x7d: {  	_ =	shalt  }
0x7e: {  	_ =	shalt  }
0x7f: {  	_ =	shalt  }
0x80: {  	_ =	shalt  }
0x81: {  	_ =	shalt  }
0x82: {  	_ =	shalt  }
0x83: {  	_ =	shalt  }
0x84: {  	_ =	shalt  }
0x85: {  	_ =	shalt  }
0x86: {  	_ =	shalt  }
0x87: {  	_ =	shalt  }
.Lfunc_end0:
.L_simem_size_0:
called_computation.3_lowered:
.L_overlay_start_0:
0x88: {  	s2 =	sld [smem:$0x3FD9]  }
0x89: {  	s3 =	sld [smem:$0x3FFE];
	_ =	sdelay $0x1  }
0x8a: {  	s1 =	srdreg.scid  }
0x8b: {  	s0 =	sand.u32 $0x1, s1  }
0x8c: {  	s17 =	sshll.u32 s0, $0xA;
	s2 =	sadd.s32 s3, s2  }
0x8d: {  	s2 =	sadd.s32 s2, s17  }
0x8e: {  	[smem:$0x3FC0] =	sst s2  }
0x8f: {  	_ = 	snop  }
0x90: {  	s2 =	sld [smem:$0x3FD0];
	(tm) =	ssettm $0x1  }
0x91: {  	s18 =	sld [smem:$0x3FFB];
	_ =	sdelay $0x3  }
0x92: {  	_ =	strace s18  }
0x93: {  	s3 =	sld [smem:$0x3FFC];
	_ =	sdelay $0x3  }
0x94: {  	_ =	strace s3  }
0x95: {  	s3 =	sld [smem:$0x3FFD];
	_ =	sdelay $0x3  }
0x96: {  	_ =	strace s3  }
0x97: {  	_ =	strace $0x8FFFFFFF  }
0x98: {  	s19 =	sld [smem:$0x3FDB];
	_ =	sdelay $0x1  }
0x99: {  	s4 =	simm.s32 $_scs_section_size  }
0x9a: {  	s5 =	simm.s32 $_size__tile_overlayer_lowered;
	s6 =	simm.s32 $_tile_overlayer_lowered  }
0x9b: {  	s22 =	simm.s32 $0x1BFF;
	s21 =	sshll.u32 s6, $0x1;
	s3 =	sadd.s32 s4, s19  }
0x9c: {  	s7 =	simm.s32 $0x0;
	s20 =	sshll.u32 s5, $0x1;
	s5 =	sadd.s32 s21, s3  }
0x9d: {  	[timem:s7], [sflag:s22] =	dma.local [hbm:s5], s20  }
0x9e: {  	_ =	swait.ge [sflag:s22], s20  }
0x9f: {  	s4 =	ssub.s32 $0x0, s20;
	[sflag:s22] =	ssyncset.done $0x0  }
0xa0: {  	[sflag:s22] =	ssyncadd.s32 s4;
	_ =	sdelay $0x1  }
0xa1: {  	s23 =	simm.s32 $0x1B8B  }
0xa2: {  	_ =	swait.ge [sflag:s23], $0x1  }
0xa3: {  	[sflag:s23] =	ssyncset.done $0x0  }
0xa4: {  	s25 =	simm.s32 $0x1B8E;
	s24 =	sld [smem:$0x3FFE];
	[sflag:s23] =	ssyncadd.s32 $0xFFFFFFFF  }
0xa5: {  	s26 =	simm.s32 $execute0_lowered;
	[smem:$0x3FD2] =	sst s25  }
0xa6: {  	s5 =	sshll.u32 s26, $0x1;
	_ =	strace $0x8000004F;
	[dreg:$0x1] =	wrdreg $0xFFFFFFFF  }
0xa7: {  	s28 =	simm.s32 $_size_execute0_lowered;
	s3 =	sadd.s32 s3, s5;
	[dreg:$0x0] =	wrdreg $0x0  }
0xa8: {  	s5 =	sshll.u32 s28, $0x1;
	[dreg:$0x2] =	wrdreg s3  }
0xa9: {  	[dreg:$0x3] =	wrdreg s5  }
0xaa: {  	[dreg:$0x4] =	wrdreg $0xC0  }
0xab: {  	_ =	task [dreg:s7], $0x5FFFF  }
0xac: {  	[dreg:$0x1] =	wrdreg $0xFFFFFFFF  }
0xad: {  	[dreg:$0x0] =	wrdreg $0x60  }
0xae: {  	[dreg:$0x2] =	wrdreg s24  }
0xaf: {  	[dreg:$0x3] =	wrdreg s2  }
0xb0: {  	[dreg:$0x4] =	wrdreg $0x90000  }
0xb1: {  	[dreg:$0x5] =	wrdreg $0x9  }
0xb2: {  	_ =	task.clear_ibuf [dreg:s7], $0x6FFFF;
	_ =	strace $0x9000004F  }
0xb3: {  	s29 =	simm.s32 $0x9;
	_ =	strace $0x80000051  }
0xb4: {  	_ =	swait.ge [sflag:s29], $0x1  }
0xb5: {  	[sflag:s29] =	ssyncadd.s32 $0xFFFFFFFF  }
0xb6: {  	_ =	strace $0x90000051  }
0xb7: {  	_ =	sfence  }
0xb8: {  	s30 =	sld [smem:$0x0];
	_ =	sdelay $0x2  }
0xb9: {  	s31 =	sshll.u32 s1, $0xD;
	s1 =	sshrl.u32 s1, $0x2  }
0xba: {  	s3 =	sand.u32 $0x4000, s31;
	s1 =	sadd.s32 s1, s30  }
0xbb: {  	s0 =	sor.u32 s3, s0;
	s1 =	sshll.u32 s1, $0x11  }
0xbc: {  	s0 =	sor.u32 s1, s0  }
0xbd: {  	s0 =	sadd.s32 $0x8F2B, s0  }
0xbe: {  	[sflag:s0] =	ssyncadd.remote.s32 $0x1  }
0xbf: {  	_ =	sfence.sel $0xFFFF  }
0xc0: {  	[dreg:$0x0] =	wrdreg $0xFFFFFFFF;
	(pc) =	sbr.abs _section_cstart, $3  }
0xc1: {  	[dreg:$0x1] =	wrdreg $0xFFFFFFFF  }
0xc2: {  	_ =	task.clear_ibuf [dreg:s7], $0x2FFFF;
	_ =	strace $0x9FFFFFFF  }
0xc3: {  	(tm) =	ssettm $0x7FFFFFFF  }
tec
execute0_lowered:
.L_overlay_start_1:
0x0: {  	(tag) =	ssettag $0x1  }
0x1: {  	s5 =	rddreg [dreg:$0x0]  }
0x2: {  	s0 =	srdreg.scid;
	s8 =	rddreg [dreg:$0x1]  }
0x3: {  	s2 =	rddreg [dreg:$0x2];
	s6 =	sand.u32 $0x1, s0;
	s0 =	stileid.u32  }
0x4: {  	s3 =	simm.s32 $0x0;
	s16 =	simm.s32 $0x1;
	s7 =	smul.u32 $0x14000, s0  }
0x5: {  	s17 =	simm.s32 $0x0;
	[smem:$0x7FF] =	sst s3;
	s10 =	smul.u32 $0x140000, s6  }
0x6: {  	s1 =	sshll.u32 s6, $0x4;
	s6 =	ssub.s32 $0x2, s6;
	s29 =	smul.u32 $0x50000, s0  }
0x7: {  	s31 =	sshll.u32 s0, $0x6;
	s4 =	sor.u32 s0, s1;
	s1 =	rddreg [dreg:$0x3]  }
0x8: {  	_ =	strace $0x80000050;
	s13 =	sshrl.u32 s6, $0x1;
	s9 =	smul.u32 $0x500, s4  }
0x9: {  	s4 =	sadd.s32 $0xDA00, s5;
	s12 =	sshrl.u32 s7, $0x3;
	s7 =	sadd.s32 s7, s10  }
0xa: {  	s13 =	ssub.s32 s6, s13;
	s30 =	sshrl.u32 s29, $0x2;
	s6 =	sor.u32 $0x1C02, s31  }
0xb: {  	s12 =	sadd.s32 s12, s5;
	s7 =	sshrl.u32 s7, $0x3;
	s15 =	sadd.s32 s30, s2  }
0xc: {  	s10 =	smax.u32 s13, $0x1;
	s13 =	simm.s32 $0x2800;
	s11 =	sadd.s32 s9, s5  }
0xd: {  	s14 =	sadd.s32 s7, s5;
	s5 =	sadd.s32 $0x35A00, s12;
	s8 =	sadd.s32 s8, s9  }
0xe: {  	s12 =	simm.s32 $0x2;
	s7 =	sadd.s32 $0x3A00, s11;
	s9 =	sadd.s32 $0x5DA00, s14  }
0xf: {  	s11 =	sshrl.u32 s15, $0x3;
	s14 =	simm.s32 $0x80;
	s15 =	simm.s32 $0x5000  }
.LBB2_1:
0x10: {  	[spmem:s11], [sflag:s6] =	dma.local [hbm:s5], $0x2800  }
0x11: {  	_ =	swait.ge [sflag:s12], $0x2800  }
0x12: {  	[sflag:s12] =	ssyncset.done $0x0  }
0x13: {  	[sflag:s12] =	ssyncadd.s32 $0xFFFFD800  }
0x14: {  	[tilespmem:s3], [sflag:$0x2] =	stream.linear.gather [hbm4b:s7+s3], $0x2780, $0x38;
	[tilespmem:$0x1D000] =	vst v63  }
0x15: {  	_ =	swait.ge [sflag:s12], $0x2780  }
0x16: {  	[sflag:s12] =	ssyncset.done $0x0  }
0x17: {  	[sflag:s12] =	ssyncadd.s32 $0xFFFFD880  }
0x18: {  	[tilespmem:s13], [sflag:$0x2] =	stream.linear.gather [hbm4b:s8+s3], $0x2780, $0x38;
	[tilespmem:$0x1D000] =	vst v63  }
0x19: {  	_ =	swait.ge [sflag:s12], $0x2780  }
0x1a: {  	[sflag:s12] =	ssyncset.done $0x0  }
0x1b: {  	[sflag:s12] =	ssyncadd.s32 $0xFFFFD880  }
0x1c: {  	s18 =	simm.s32 $0x0;
	[bflag:$0x0] =	sbarrier.arrive $0xFFFF  }
0x1d: {  	[tilespmem:s15], [sflag:$0x1] =	stream.indirect.gather [hbm4b:s4+s14], $0x80, s18, s14, $0xb8;
	[tilespmem:$0x1D000] =	vst v63  }
0x1e: {  	_ =	swait.ge [sflag:s16], $0x4000  }
0x1f: {  	[sflag:s16] =	ssyncset.done $0x0  }
0x20: {  	s31 =	simm.s32 $0x2800;
	[sflag:s16] =	ssyncadd.s32 $0xFFFFC000  }
0x21: {  	[spmem:s2] =	stream.indirect.scatter.add.f32 [tilespmem:s15], [sflag:$0x2], $0x80, s31, s14, $0xb8;
	[tilespmem:$0x1D000] =	vst v63  }
0x22: {  	_ =	swait.ge [sflag:s12], $0x4000  }
0x23: {  	s19 =	simm.s32 $0x400;
	s18 =	simm.s32 $0x200;
	[sflag:s12] =	ssyncset.done $0x0  }
.LBB2_2:
0x24: {  	s20 =	sshra.s32 s18, $0x2  }
0x25: {  	[sflag:s12] =	ssyncadd.s32 $0xFFFFC000;
	s18 =	smov.u32 s19;
	s21 =	sadd.s32 $0x200, s19  }
0x26: {  	[tilespmem:s15], [sflag:$0x1] =	stream.indirect.gather [hbm4b:s4+s14], $0x80, s20, s14, $0xb8;
	[tilespmem:$0x1D000] =	vst v63  }
0x27: {  	p0 =	sne.s32 s19, $0x9C00;
	_ =	swait.ge [sflag:s16], $0x4000  }
.Ltmp0:
0x28: {  	[sflag:s16] =	ssyncset.done $0x0;
	(pc) =	sbr.rel @p0 .LBB2_2-.Ltmp0, $4  }
0x29: {  	s19 =	sadd.s32 $0x2800, s20;
	[sflag:s16] =	ssyncadd.s32 $0xFFFFC000  }
0x2a: {  	[spmem:s2] =	stream.indirect.scatter.add.f32 [tilespmem:s15], [sflag:$0x2], $0x80, s19, s14, $0xb8;
	[tilespmem:$0x1D000] =	vst v63  }
0x2b: {  	_ =	swait.ge [sflag:s12], $0x4000  }
0x2c: {  	s19 =	smov.u32 s21;
	[sflag:s12] =	ssyncset.done $0x0  }
0x2d: {  	s18 =	sshra.s32 s18, $0x2;
	[sflag:s12] =	ssyncadd.s32 $0xFFFFC000  }
0x2e: {  	[tilespmem:s15], [sflag:$0x1] =	stream.indirect.gather [hbm4b:s4+s14], $0x80, s18, s14, $0xb8;
	[tilespmem:$0x1D000] =	vst v63  }
0x2f: {  	_ =	swait.ge [sflag:s16], $0x4000  }
0x30: {  	[sflag:s16] =	ssyncset.done $0x0  }
0x31: {  	s18 =	sadd.s32 $0x2800, s18;
	[sflag:s16] =	ssyncadd.s32 $0xFFFFC000  }
0x32: {  	[spmem:s2] =	stream.indirect.scatter.add.f32 [tilespmem:s15], [sflag:$0x2], $0x80, s18, s14, $0xb8;
	[tilespmem:$0x1D000] =	vst v63  }
0x33: {  	_ =	swait.ge [sflag:s12], $0x4000  }
0x34: {  	s17 =	sadd.s32 $0x1, s17;
	[sflag:s12] =	ssyncset.done $0x0  }
0x35: {  	p0 =	sne.s32 s17, s10;
	[sflag:s12] =	ssyncadd.s32 $0xFFFFC000  }
.Ltmp1:
0x36: {  	[bflag:$0x0] =	sbarrier.arrive $0xFFFF;
	(pc) =	sbr.rel @p0 .LBB2_1-.Ltmp1, $4  }
0x37: {  	[hbm:s9], [sflag:s6] =	dma.local [spmem:s11], $0x2800  }
0x38: {  	_ =	swait.ge [sflag:s12], $0x2800  }
0x39: {  	[sflag:s12] =	ssyncset.done $0x0  }
0x3a: {  	[sflag:s12] =	ssyncadd.s32 $0xFFFFD800  }
0x3b: {  	_ =	sfence.sel $0x180000  }
0x3c: {  	[bflag:$0x0] =	sbarrier.arrive $0xFFFF  }
0x3d: {  	p0 =	sne.s32 s0, $0x0;
	_ =	strace $0x90000050  }
0x3e: {  	s0 =	sadd.s32 @!p0 $0x100000, s1;
	[bflag:$0x2] =	sbarrier.arrive $0xFFFF  }
0x3f: {  	[sflag:s0] =	ssyncadd.tile.s32 @!p0 $0x1;
	_ =	shalt  }
.Lfunc_end2:
_tile_overlayer_lowered:
.L_overlay_start_2:
0x40: {  	(tag) =	ssettag $0x2  }
0x41: {  	s0 =	rddreg [dreg:$0x0];
	s2 =	stileid.u32  }
0x42: {  	s1 =	rddreg [dreg:$0x1];
	p0 =	sne.s32 s2, $0x0  }
0x43: {  	s3 =	rddreg [dreg:$0x2];
	[bflag:$0x3] =	sbarrier.arrive $0xFFFF;
	s2 =	simm.s32 @!p0 $0x1C02  }
0x44: {  	[timem:s3], [sflag:s2] =	dma.local @!p0 [hbm:s0], s1  }
0x45: {  	s0 =	simm.s32 @!p0 $0x2  }
0x46: {  	_ =	swait.ge @!p0 [sflag:s0], s1  }
0x47: {  	s1 =	ssub.s32 @!p0 $0x0, s1;
	[sflag:s0] =	ssyncset.done @!p0 $0x0  }
0x48: {  	[sflag:s0] =	ssyncadd.s32 @!p0 s1  }
0x49: {  	[bflag:$0x3] =	sbarrier.arrive $0xFFFF  }
0x4a: {  	_ =	shalt  }

</sc_bundles>
